<compile_context>
chip_gen: v7x
topology: tpu7x:2x2x1
jax: 0.10.2.dev20260603
libtpu: 0.0.44.dev20260713+nightly
codegen_flags: <defaults>
</compile_context>

<pallas_src>
import functools

import jax
import jax.numpy as jnp
from jax import lax
from jax.experimental import pallas as pl
from jax.experimental.pallas import tpu as pltpu
from jax.experimental.pallas import tpu_sc as plsc

_B = 16384
_D = 32
_L = 16
_NC = 2
_NS = 16
_NW = _NC * _NS
_BPW = _B // _NW
_V = 1000000
_TK = 3200

_mesh = plsc.VectorSubcoreMesh(core_axis_name="c", subcore_axis_name="s")


def _xpose_body(x_ref, o_ref):
    o_ref[...] = x_ref[...].T


def _to_row_major(tbl_t):
    grid = pl.cdiv(_V, _TK)
    return pl.pallas_call(
        _xpose_body,
        grid=(grid,),
        in_specs=[pl.BlockSpec((_D, _TK), lambda j: (0, j))],
        out_specs=pl.BlockSpec((_TK, _D), lambda j: (j, 0)),
        out_shape=jax.ShapeDtypeStruct((_V, _D), jnp.float32),
    )(tbl_t)


def _body(ub_hbm, ib_hbm, ut_hbm, it_hbm, out_hbm,
          uidx_v, iidx_v, urows_v, irows_v, out_v, sem_u, sem_i):
    wid = lax.axis_index("s") * _NC + lax.axis_index("c")
    base = wid * _BPW

    pltpu.sync_copy(ub_hbm.at[pl.ds(base, _BPW)], uidx_v)
    pltpu.sync_copy(ib_hbm.at[pl.ds(base, _BPW)], iidx_v)

    cu = pltpu.async_copy(ut_hbm.at[uidx_v], urows_v, sem_u)
    ci = pltpu.async_copy(it_hbm.at[iidx_v], irows_v, sem_i)
    cu.wait()
    ci.wait()

    lanes = lax.iota(jnp.int32, _L)
    cols = [(j + lanes) & (_D - 1) for j in range(_D)]

    def group(g, carry):
        rid = g * _L + lanes
        acc = jnp.zeros((_L,), jnp.float32)
        for j in range(_D):
            uu = plsc.load_gather(urows_v, [rid, cols[j]])
            vv = plsc.load_gather(irows_v, [rid, cols[j]])
            acc = acc + uu * vv
        out_v[pl.ds(g * _L, _L)] = acc
        return carry

    lax.fori_loop(0, _BPW // _L, group, 0)

    pltpu.sync_copy(out_v, out_hbm.at[pl.ds(base, _BPW)])


@jax.jit
def _run(user_batch, item_batch, user_table_t, item_table_t):
    ut = _to_row_major(user_table_t)
    it = _to_row_major(item_table_t)
    k = functools.partial(
        pl.kernel,
        out_type=jax.ShapeDtypeStruct((_B,), jnp.float32),
        mesh=_mesh,
        scratch_types=[
            pltpu.VMEM((_BPW,), jnp.int32),
            pltpu.VMEM((_BPW,), jnp.int32),
            pltpu.VMEM((_BPW, _D), jnp.float32),
            pltpu.VMEM((_BPW, _D), jnp.float32),
            pltpu.VMEM((_BPW,), jnp.float32),
            pltpu.SemaphoreType.DMA,
            pltpu.SemaphoreType.DMA,
        ],
        compiler_params=pltpu.CompilerParams(
            needs_layout_passes=False, use_tc_tiling_on_sc=False),
    )(_body)
    return k(user_batch, item_batch, ut, it)


def kernel(user_batch, item_batch, user_table, item_table):
    return _run(user_batch.astype(jnp.int32), item_batch.astype(jnp.int32),
                user_table.T, item_table.T)

# --- scband reference (transcript-rebuilt; emitter-appended) ---
"""Pipeline reference for scband-mf-50276887167062 (READ-ONLY COPY).

The authoritative reference and input builder live on the scoring server;
editing this copy changes nothing except your own understanding.
"""

import jax, jax.numpy as jnp
import numpy as np

USER_SIZE = 1000000
ITEM_SIZE = 1000000
EMBED_SIZE = 32
BATCH = 16384


def setup_inputs(seed: int = 0) -> dict:
    key = jax.random.key(seed)
    k1, k2, k3, k4 = jax.random.split(key, 4)
    user_batch = jax.random.randint(k1, (BATCH,), 0, USER_SIZE, dtype=jnp.int64) if jax.config.jax_enable_x64 else jax.random.randint(k1, (BATCH,), 0, USER_SIZE).astype(jnp.int32)
    item_batch = jax.random.randint(k2, (BATCH,), 0, ITEM_SIZE).astype(user_batch.dtype)
    # he_uniform: limit = sqrt(6 / fan_in); for Embedding fan_in = input_dim per Keras convention
    lim_u = np.sqrt(6.0 / USER_SIZE)
    lim_i = np.sqrt(6.0 / ITEM_SIZE)
    user_table = jax.random.uniform(k3, (USER_SIZE, EMBED_SIZE), minval=-lim_u, maxval=lim_u, dtype=jnp.float32)
    item_table = jax.random.uniform(k4, (ITEM_SIZE, EMBED_SIZE), minval=-lim_i, maxval=lim_i, dtype=jnp.float32)
    return {"user_batch": user_batch, "item_batch": item_batch, "user_table": user_table, "item_table": item_table}


def reference(user_batch, item_batch, user_table, item_table):
    user_embeddings = jnp.take(user_table, user_batch, axis=0)
    item_embeddings = jnp.take(item_table, item_batch, axis=0)
    return jnp.sum(user_embeddings * item_embeddings, axis=-1)

if __name__ == "__main__":
    import jax
    _d = setup_inputs()
    print(jax.jit(kernel)(*tuple(_d.values())))

</pallas_src>

<mosaic_0001>
#map = affine_map<(d0, d1) -> (0)>
#map1 = affine_map<(d0, d1) -> (0, 0)>
module attributes {stable_mosaic.version = 14 : i64} {
  func.func @_body(%arg0: i32, %arg1: i32, %arg2: memref<16384xi32, #tpu.memory_space<hbm>>, %arg3: memref<16384xi32, #tpu.memory_space<hbm>>, %arg4: memref<1000000x32xf32, #tpu.memory_space<hbm>>, %arg5: memref<1000000x32xf32, #tpu.memory_space<hbm>>, %arg6: memref<16384xf32, #tpu.memory_space<hbm>>, %arg7: memref<512xi32, #tpu.memory_space<vmem>>, %arg8: memref<512xi32, #tpu.memory_space<vmem>>, %arg9: memref<512x32xf32, #tpu.memory_space<vmem>>, %arg10: memref<512x32xf32, #tpu.memory_space<vmem>>, %arg11: memref<512xf32, #tpu.memory_space<vmem>>, %arg12: memref<!tpu.dma_semaphore, #tpu.memory_space<semaphore_mem>>, %arg13: memref<!tpu.dma_semaphore, #tpu.memory_space<semaphore_mem>>) attributes {dimension_semantics = [#tpu.dimension_semantics<core_parallel>, #tpu.dimension_semantics<subcore_parallel>], iteration_bounds = array<i64: 2, 16>, scalar_prefetch = 0 : i64, scratch_operands = 7 : i64, tpu.core_type = #tpu.core_type<sc_vector_subcore>, window_params = [{transform_indices = #map}, {transform_indices = #map}, {transform_indices = #map1}, {transform_indices = #map1}, {transform_indices = #map}]} {
    %mul3A = arith.constant 2 : i32
    %mul3A_0 = arith.muli %arg1, %mul3A : i32
    %add3A = arith.addi %mul3A_0, %arg0 : i32
    %mul3A_1 = arith.constant 512 : i32
    %mul3A_2 = arith.muli %add3A, %mul3A_1 : i32
    "tpu.region"() ({
      %run_scoped3A = tpu.sem_alloc : memref<!tpu.dma_semaphore, #tpu.memory_space<semaphore_mem>>
      %dma_start3A_209 = tpu.memref_slice %arg2[%mul3A_2] : memref<16384xi32, #tpu.memory_space<hbm>> -> memref<512xi32, #tpu.memory_space<hbm>>
      %dma_start3A_210 = tpu.memref_slice %arg2[%mul3A_2] : memref<16384xi32, #tpu.memory_space<hbm>> -> memref<512xi32, #tpu.memory_space<hbm>>
      tpu.enqueue_dma source(%dma_start3A_210 : memref<512xi32, #tpu.memory_space<hbm>>) target(%arg7 : memref<512xi32, #tpu.memory_space<vmem>>) target_semaphore(%run_scoped3A : memref<!tpu.dma_semaphore, #tpu.memory_space<semaphore_mem>>)
      %dma_wait3A_211 = tpu.memref_slice %arg2[%mul3A_2] : memref<16384xi32, #tpu.memory_space<hbm>> -> memref<512xi32, #tpu.memory_space<hbm>>
      %dma_wait3A_212 = tpu.memref_slice %arg2[%mul3A_2] : memref<16384xi32, #tpu.memory_space<hbm>> -> memref<512xi32, #tpu.memory_space<hbm>>
      tpu.wait_dma2 semaphore(%run_scoped3A : memref<!tpu.dma_semaphore, #tpu.memory_space<semaphore_mem>>) src(%dma_wait3A_212 : memref<512xi32, #tpu.memory_space<hbm>>) dst(%arg7 : memref<512xi32, #tpu.memory_space<vmem>>)
      tpu.yield
    }) : () -> ()
    "tpu.region"() ({
      %run_scoped3A = tpu.sem_alloc : memref<!tpu.dma_semaphore, #tpu.memory_space<semaphore_mem>>
      %dma_start3A_209 = tpu.memref_slice %arg3[%mul3A_2] : memref<16384xi32, #tpu.memory_space<hbm>> -> memref<512xi32, #tpu.memory_space<hbm>>
      %dma_start3A_210 = tpu.memref_slice %arg3[%mul3A_2] : memref<16384xi32, #tpu.memory_space<hbm>> -> memref<512xi32, #tpu.memory_space<hbm>>
      tpu.enqueue_dma source(%dma_start3A_210 : memref<512xi32, #tpu.memory_space<hbm>>) target(%arg8 : memref<512xi32, #tpu.memory_space<vmem>>) target_semaphore(%run_scoped3A : memref<!tpu.dma_semaphore, #tpu.memory_space<semaphore_mem>>)
      %dma_wait3A_211 = tpu.memref_slice %arg3[%mul3A_2] : memref<16384xi32, #tpu.memory_space<hbm>> -> memref<512xi32, #tpu.memory_space<hbm>>
      %dma_wait3A_212 = tpu.memref_slice %arg3[%mul3A_2] : memref<16384xi32, #tpu.memory_space<hbm>> -> memref<512xi32, #tpu.memory_space<hbm>>
      tpu.wait_dma2 semaphore(%run_scoped3A : memref<!tpu.dma_semaphore, #tpu.memory_space<semaphore_mem>>) src(%dma_wait3A_212 : memref<512xi32, #tpu.memory_space<hbm>>) dst(%arg8 : memref<512xi32, #tpu.memory_space<vmem>>)
      tpu.yield
    }) : () -> ()
    %dma_start3A = arith.constant 0 : i32
    %dma_start3A_3 = arith.constant 0 : i32
    %dma_start3A_4 = tpu.memref_slice %arg4[%dma_start3A, %dma_start3A_3] : memref<1000000x32xf32, #tpu.memory_space<hbm>> -> memref<1000000x32xf32, #tpu.memory_space<hbm>>
    tpu.enqueue_indirect_dma source(%dma_start3A_4 : memref<1000000x32xf32, #tpu.memory_space<hbm>>) target(%arg9 : memref<512x32xf32, #tpu.memory_space<vmem>>) offsets(%arg7 : memref<512xi32, #tpu.memory_space<vmem>>) semaphore(%arg12 : memref<!tpu.dma_semaphore, #tpu.memory_space<semaphore_mem>>)
    %dma_start3A_5 = arith.constant 0 : i32
    %dma_start3A_6 = arith.constant 0 : i32
    %dma_start3A_7 = tpu.memref_slice %arg5[%dma_start3A_5, %dma_start3A_6] : memref<1000000x32xf32, #tpu.memory_space<hbm>> -> memref<1000000x32xf32, #tpu.memory_space<hbm>>
    tpu.enqueue_indirect_dma source(%dma_start3A_7 : memref<1000000x32xf32, #tpu.memory_space<hbm>>) target(%arg10 : memref<512x32xf32, #tpu.memory_space<vmem>>) offsets(%arg8 : memref<512xi32, #tpu.memory_space<vmem>>) semaphore(%arg13 : memref<!tpu.dma_semaphore, #tpu.memory_space<semaphore_mem>>)
    %dma_wait3A = arith.constant 0 : i32
    %dma_wait3A_8 = arith.constant 0 : i32
    %dma_wait3A_9 = tpu.memref_slice %arg4[%dma_wait3A, %dma_wait3A_8] : memref<1000000x32xf32, #tpu.memory_space<hbm>> -> memref<1000000x32xf32, #tpu.memory_space<hbm>>
    tpu.wait_indirect_dma semaphore(%arg12 : memref<!tpu.dma_semaphore, #tpu.memory_space<semaphore_mem>>) src(%dma_wait3A_9 : memref<1000000x32xf32, #tpu.memory_space<hbm>>) dst(%arg9 : memref<512x32xf32, #tpu.memory_space<vmem>>)
    %dma_wait3A_10 = arith.constant 0 : i32
    %dma_wait3A_11 = arith.constant 0 : i32
    %dma_wait3A_12 = tpu.memref_slice %arg5[%dma_wait3A_10, %dma_wait3A_11] : memref<1000000x32xf32, #tpu.memory_space<hbm>> -> memref<1000000x32xf32, #tpu.memory_space<hbm>>
    tpu.wait_indirect_dma semaphore(%arg13 : memref<!tpu.dma_semaphore, #tpu.memory_space<semaphore_mem>>) src(%dma_wait3A_12 : memref<1000000x32xf32, #tpu.memory_space<hbm>>) dst(%arg10 : memref<512x32xf32, #tpu.memory_space<vmem>>)
    %iota3A = tpu.iota {dimensions = array<i32: 0>} : vector<16xi32>
    %add3A_13 = arith.constant 0 : i32
    %add3A_14 = vector.broadcast %add3A_13 : i32 to vector<16xi32>
    %add3A_15 = arith.addi %add3A_14, %iota3A : vector<16xi32>
    %and3A = arith.constant 31 : i32
    %and3A_16 = vector.broadcast %and3A : i32 to vector<16xi32>
    %and3A_17 = arith.andi %add3A_15, %and3A_16 : vector<16xi32>
    %add3A_18 = arith.constant 1 : i32
    %add3A_19 = vector.broadcast %add3A_18 : i32 to vector<16xi32>
    %add3A_20 = arith.addi %add3A_19, %iota3A : vector<16xi32>
    %and3A_21 = arith.constant 31 : i32
    %and3A_22 = vector.broadcast %and3A_21 : i32 to vector<16xi32>
    %and3A_23 = arith.andi %add3A_20, %and3A_22 : vector<16xi32>
    %add3A_24 = arith.constant 2 : i32
    %add3A_25 = vector.broadcast %add3A_24 : i32 to vector<16xi32>
    %add3A_26 = arith.addi %add3A_25, %iota3A : vector<16xi32>
    %and3A_27 = arith.constant 31 : i32
    %and3A_28 = vector.broadcast %and3A_27 : i32 to vector<16xi32>
    %and3A_29 = arith.andi %add3A_26, %and3A_28 : vector<16xi32>
    %add3A_30 = arith.constant 3 : i32
    %add3A_31 = vector.broadcast %add3A_30 : i32 to vector<16xi32>
    %add3A_32 = arith.addi %add3A_31, %iota3A : vector<16xi32>
    %and3A_33 = arith.constant 31 : i32
    %and3A_34 = vector.broadcast %and3A_33 : i32 to vector<16xi32>
    %and3A_35 = arith.andi %add3A_32, %and3A_34 : vector<16xi32>
    %add3A_36 = arith.constant 4 : i32
    %add3A_37 = vector.broadcast %add3A_36 : i32 to vector<16xi32>
    %add3A_38 = arith.addi %add3A_37, %iota3A : vector<16xi32>
    %and3A_39 = arith.constant 31 : i32
    %and3A_40 = vector.broadcast %and3A_39 : i32 to vector<16xi32>
    %and3A_41 = arith.andi %add3A_38, %and3A_40 : vector<16xi32>
    %add3A_42 = arith.constant 5 : i32
    %add3A_43 = vector.broadcast %add3A_42 : i32 to vector<16xi32>
    %add3A_44 = arith.addi %add3A_43, %iota3A : vector<16xi32>
    %and3A_45 = arith.constant 31 : i32
    %and3A_46 = vector.broadcast %and3A_45 : i32 to vector<16xi32>
    %and3A_47 = arith.andi %add3A_44, %and3A_46 : vector<16xi32>
    %add3A_48 = arith.constant 6 : i32
    %add3A_49 = vector.broadcast %add3A_48 : i32 to vector<16xi32>
    %add3A_50 = arith.addi %add3A_49, %iota3A : vector<16xi32>
    %and3A_51 = arith.constant 31 : i32
    %and3A_52 = vector.broadcast %and3A_51 : i32 to vector<16xi32>
    %and3A_53 = arith.andi %add3A_50, %and3A_52 : vector<16xi32>
    %add3A_54 = arith.constant 7 : i32
    %add3A_55 = vector.broadcast %add3A_54 : i32 to vector<16xi32>
    %add3A_56 = arith.addi %add3A_55, %iota3A : vector<16xi32>
    %and3A_57 = arith.constant 31 : i32
    %and3A_58 = vector.broadcast %and3A_57 : i32 to vector<16xi32>
    %and3A_59 = arith.andi %add3A_56, %and3A_58 : vector<16xi32>
    %add3A_60 = arith.constant 8 : i32
    %add3A_61 = vector.broadcast %add3A_60 : i32 to vector<16xi32>
    %add3A_62 = arith.addi %add3A_61, %iota3A : vector<16xi32>
    %and3A_63 = arith.constant 31 : i32
    %and3A_64 = vector.broadcast %and3A_63 : i32 to vector<16xi32>
    %and3A_65 = arith.andi %add3A_62, %and3A_64 : vector<16xi32>
    %add3A_66 = arith.constant 9 : i32
    %add3A_67 = vector.broadcast %add3A_66 : i32 to vector<16xi32>
    %add3A_68 = arith.addi %add3A_67, %iota3A : vector<16xi32>
    %and3A_69 = arith.constant 31 : i32
    %and3A_70 = vector.broadcast %and3A_69 : i32 to vector<16xi32>
    %and3A_71 = arith.andi %add3A_68, %and3A_70 : vector<16xi32>
    %add3A_72 = arith.constant 10 : i32
    %add3A_73 = vector.broadcast %add3A_72 : i32 to vector<16xi32>
    %add3A_74 = arith.addi %add3A_73, %iota3A : vector<16xi32>
    %and3A_75 = arith.constant 31 : i32
    %and3A_76 = vector.broadcast %and3A_75 : i32 to vector<16xi32>
    %and3A_77 = arith.andi %add3A_74, %and3A_76 : vector<16xi32>
    %add3A_78 = arith.constant 11 : i32
    %add3A_79 = vector.broadcast %add3A_78 : i32 to vector<16xi32>
    %add3A_80 = arith.addi %add3A_79, %iota3A : vector<16xi32>
    %and3A_81 = arith.constant 31 : i32
    %and3A_82 = vector.broadcast %and3A_81 : i32 to vector<16xi32>
    %and3A_83 = arith.andi %add3A_80, %and3A_82 : vector<16xi32>
    %add3A_84 = arith.constant 12 : i32
    %add3A_85 = vector.broadcast %add3A_84 : i32 to vector<16xi32>
    %add3A_86 = arith.addi %add3A_85, %iota3A : vector<16xi32>
    %and3A_87 = arith.constant 31 : i32
    %and3A_88 = vector.broadcast %and3A_87 : i32 to vector<16xi32>
    %and3A_89 = arith.andi %add3A_86, %and3A_88 : vector<16xi32>
    %add3A_90 = arith.constant 13 : i32
    %add3A_91 = vector.broadcast %add3A_90 : i32 to vector<16xi32>
    %add3A_92 = arith.addi %add3A_91, %iota3A : vector<16xi32>
    %and3A_93 = arith.constant 31 : i32
    %and3A_94 = vector.broadcast %and3A_93 : i32 to vector<16xi32>
    %and3A_95 = arith.andi %add3A_92, %and3A_94 : vector<16xi32>
    %add3A_96 = arith.constant 14 : i32
    %add3A_97 = vector.broadcast %add3A_96 : i32 to vector<16xi32>
    %add3A_98 = arith.addi %add3A_97, %iota3A : vector<16xi32>
    %and3A_99 = arith.constant 31 : i32
    %and3A_100 = vector.broadcast %and3A_99 : i32 to vector<16xi32>
    %and3A_101 = arith.andi %add3A_98, %and3A_100 : vector<16xi32>
    %add3A_102 = arith.constant 15 : i32
    %add3A_103 = vector.broadcast %add3A_102 : i32 to vector<16xi32>
    %add3A_104 = arith.addi %add3A_103, %iota3A : vector<16xi32>
    %and3A_105 = arith.constant 31 : i32
    %and3A_106 = vector.broadcast %and3A_105 : i32 to vector<16xi32>
    %and3A_107 = arith.andi %add3A_104, %and3A_106 : vector<16xi32>
    %add3A_108 = arith.constant 16 : i32
    %add3A_109 = vector.broadcast %add3A_108 : i32 to vector<16xi32>
    %add3A_110 = arith.addi %add3A_109, %iota3A : vector<16xi32>
    %and3A_111 = arith.constant 31 : i32
    %and3A_112 = vector.broadcast %and3A_111 : i32 to vector<16xi32>
    %and3A_113 = arith.andi %add3A_110, %and3A_112 : vector<16xi32>
    %add3A_114 = arith.constant 17 : i32
    %add3A_115 = vector.broadcast %add3A_114 : i32 to vector<16xi32>
    %add3A_116 = arith.addi %add3A_115, %iota3A : vector<16xi32>
    %and3A_117 = arith.constant 31 : i32
    %and3A_118 = vector.broadcast %and3A_117 : i32 to vector<16xi32>
    %and3A_119 = arith.andi %add3A_116, %and3A_118 : vector<16xi32>
    %add3A_120 = arith.constant 18 : i32
    %add3A_121 = vector.broadcast %add3A_120 : i32 to vector<16xi32>
    %add3A_122 = arith.addi %add3A_121, %iota3A : vector<16xi32>
    %and3A_123 = arith.constant 31 : i32
    %and3A_124 = vector.broadcast %and3A_123 : i32 to vector<16xi32>
    %and3A_125 = arith.andi %add3A_122, %and3A_124 : vector<16xi32>
    %add3A_126 = arith.constant 19 : i32
    %add3A_127 = vector.broadcast %add3A_126 : i32 to vector<16xi32>
    %add3A_128 = arith.addi %add3A_127, %iota3A : vector<16xi32>
    %and3A_129 = arith.constant 31 : i32
    %and3A_130 = vector.broadcast %and3A_129 : i32 to vector<16xi32>
    %and3A_131 = arith.andi %add3A_128, %and3A_130 : vector<16xi32>
    %add3A_132 = arith.constant 20 : i32
    %add3A_133 = vector.broadcast %add3A_132 : i32 to vector<16xi32>
    %add3A_134 = arith.addi %add3A_133, %iota3A : vector<16xi32>
    %and3A_135 = arith.constant 31 : i32
    %and3A_136 = vector.broadcast %and3A_135 : i32 to vector<16xi32>
    %and3A_137 = arith.andi %add3A_134, %and3A_136 : vector<16xi32>
    %add3A_138 = arith.constant 21 : i32
    %add3A_139 = vector.broadcast %add3A_138 : i32 to vector<16xi32>
    %add3A_140 = arith.addi %add3A_139, %iota3A : vector<16xi32>
    %and3A_141 = arith.constant 31 : i32
    %and3A_142 = vector.broadcast %and3A_141 : i32 to vector<16xi32>
    %and3A_143 = arith.andi %add3A_140, %and3A_142 : vector<16xi32>
    %add3A_144 = arith.constant 22 : i32
    %add3A_145 = vector.broadcast %add3A_144 : i32 to vector<16xi32>
    %add3A_146 = arith.addi %add3A_145, %iota3A : vector<16xi32>
    %and3A_147 = arith.constant 31 : i32
    %and3A_148 = vector.broadcast %and3A_147 : i32 to vector<16xi32>
    %and3A_149 = arith.andi %add3A_146, %and3A_148 : vector<16xi32>
    %add3A_150 = arith.constant 23 : i32
    %add3A_151 = vector.broadcast %add3A_150 : i32 to vector<16xi32>
    %add3A_152 = arith.addi %add3A_151, %iota3A : vector<16xi32>
    %and3A_153 = arith.constant 31 : i32
    %and3A_154 = vector.broadcast %and3A_153 : i32 to vector<16xi32>
    %and3A_155 = arith.andi %add3A_152, %and3A_154 : vector<16xi32>
    %add3A_156 = arith.constant 24 : i32
    %add3A_157 = vector.broadcast %add3A_156 : i32 to vector<16xi32>
    %add3A_158 = arith.addi %add3A_157, %iota3A : vector<16xi32>
    %and3A_159 = arith.constant 31 : i32
    %and3A_160 = vector.broadcast %and3A_159 : i32 to vector<16xi32>
    %and3A_161 = arith.andi %add3A_158, %and3A_160 : vector<16xi32>
    %add3A_162 = arith.constant 25 : i32
    %add3A_163 = vector.broadcast %add3A_162 : i32 to vector<16xi32>
    %add3A_164 = arith.addi %add3A_163, %iota3A : vector<16xi32>
    %and3A_165 = arith.constant 31 : i32
    %and3A_166 = vector.broadcast %and3A_165 : i32 to vector<16xi32>
    %and3A_167 = arith.andi %add3A_164, %and3A_166 : vector<16xi32>
    %add3A_168 = arith.constant 26 : i32
    %add3A_169 = vector.broadcast %add3A_168 : i32 to vector<16xi32>
    %add3A_170 = arith.addi %add3A_169, %iota3A : vector<16xi32>
    %and3A_171 = arith.constant 31 : i32
    %and3A_172 = vector.broadcast %and3A_171 : i32 to vector<16xi32>
    %and3A_173 = arith.andi %add3A_170, %and3A_172 : vector<16xi32>
    %add3A_174 = arith.constant 27 : i32
    %add3A_175 = vector.broadcast %add3A_174 : i32 to vector<16xi32>
    %add3A_176 = arith.addi %add3A_175, %iota3A : vector<16xi32>
    %and3A_177 = arith.constant 31 : i32
    %and3A_178 = vector.broadcast %and3A_177 : i32 to vector<16xi32>
    %and3A_179 = arith.andi %add3A_176, %and3A_178 : vector<16xi32>
    %add3A_180 = arith.constant 28 : i32
    %add3A_181 = vector.broadcast %add3A_180 : i32 to vector<16xi32>
    %add3A_182 = arith.addi %add3A_181, %iota3A : vector<16xi32>
    %and3A_183 = arith.constant 31 : i32
    %and3A_184 = vector.broadcast %and3A_183 : i32 to vector<16xi32>
    %and3A_185 = arith.andi %add3A_182, %and3A_184 : vector<16xi32>
    %add3A_186 = arith.constant 29 : i32
    %add3A_187 = vector.broadcast %add3A_186 : i32 to vector<16xi32>
    %add3A_188 = arith.addi %add3A_187, %iota3A : vector<16xi32>
    %and3A_189 = arith.constant 31 : i32
    %and3A_190 = vector.broadcast %and3A_189 : i32 to vector<16xi32>
    %and3A_191 = arith.andi %add3A_188, %and3A_190 : vector<16xi32>
    %add3A_192 = arith.constant 30 : i32
    %add3A_193 = vector.broadcast %add3A_192 : i32 to vector<16xi32>
    %add3A_194 = arith.addi %add3A_193, %iota3A : vector<16xi32>
    %and3A_195 = arith.constant 31 : i32
    %and3A_196 = vector.broadcast %and3A_195 : i32 to vector<16xi32>
    %and3A_197 = arith.andi %add3A_194, %and3A_196 : vector<16xi32>
    %add3A_198 = arith.constant 31 : i32
    %add3A_199 = vector.broadcast %add3A_198 : i32 to vector<16xi32>
    %add3A_200 = arith.addi %add3A_199, %iota3A : vector<16xi32>
    %and3A_201 = arith.constant 31 : i32
    %and3A_202 = vector.broadcast %and3A_201 : i32 to vector<16xi32>
    %and3A_203 = arith.andi %add3A_200, %and3A_202 : vector<16xi32>
    %scan3A = arith.constant 0 : i32
    %scan3A_204 = arith.constant 0 : i32
    %scan3A_205 = arith.constant 32 : i32
    %scan3A_206 = arith.addi %scan3A_204, %scan3A_205 : i32
    %scan3A_207 = arith.constant 1 : i32
    scf.for %scan3A_209 = %scan3A_204 to %scan3A_206 step %scan3A_207  : i32 {
      %mul3A_210 = arith.constant 16 : i32
      %mul3A_211 = arith.muli %scan3A_209, %mul3A_210 : i32
      %add3A_212 = vector.broadcast %mul3A_211 : i32 to vector<16xi32>
      %add3A_213 = arith.addi %add3A_212, %iota3A : vector<16xi32>
      %broadcast_in_dim3A = arith.constant 0.000000e+00 : f32
      %broadcast_in_dim3A_214 = vector.broadcast %broadcast_in_dim3A : f32 to vector<16xf32>
      %gather3A = tpu.vector_load_idx %arg9[%add3A_213, %and3A_17] : memref<512x32xf32, #tpu.memory_space<vmem>>[vector<16xi32>, vector<16xi32>], vector<16xf32>,
      %gather3A_215 = tpu.vector_load_idx %arg10[%add3A_213, %and3A_17] : memref<512x32xf32, #tpu.memory_space<vmem>>[vector<16xi32>, vector<16xi32>], vector<16xf32>,
      %mul3A_216 = arith.mulf %gather3A, %gather3A_215 : vector<16xf32>
      %add3A_217 = arith.addf %broadcast_in_dim3A_214, %mul3A_216 : vector<16xf32>
      %gather3A_218 = tpu.vector_load_idx %arg9[%add3A_213, %and3A_23] : memref<512x32xf32, #tpu.memory_space<vmem>>[vector<16xi32>, vector<16xi32>], vector<16xf32>,
      %gather3A_219 = tpu.vector_load_idx %arg10[%add3A_213, %and3A_23] : memref<512x32xf32, #tpu.memory_space<vmem>>[vector<16xi32>, vector<16xi32>], vector<16xf32>,
      %mul3A_220 = arith.mulf %gather3A_218, %gather3A_219 : vector<16xf32>
      %add3A_221 = arith.addf %add3A_217, %mul3A_220 : vector<16xf32>
      %gather3A_222 = tpu.vector_load_idx %arg9[%add3A_213, %and3A_29] : memref<512x32xf32, #tpu.memory_space<vmem>>[vector<16xi32>, vector<16xi32>], vector<16xf32>,
      %gather3A_223 = tpu.vector_load_idx %arg10[%add3A_213, %and3A_29] : memref<512x32xf32, #tpu.memory_space<vmem>>[vector<16xi32>, vector<16xi32>], vector<16xf32>,
      %mul3A_224 = arith.mulf %gather3A_222, %gather3A_223 : vector<16xf32>
      %add3A_225 = arith.addf %add3A_221, %mul3A_224 : vector<16xf32>
      %gather3A_226 = tpu.vector_load_idx %arg9[%add3A_213, %and3A_35] : memref<512x32xf32, #tpu.memory_space<vmem>>[vector<16xi32>, vector<16xi32>], vector<16xf32>,
      %gather3A_227 = tpu.vector_load_idx %arg10[%add3A_213, %and3A_35] : memref<512x32xf32, #tpu.memory_space<vmem>>[vector<16xi32>, vector<16xi32>], vector<16xf32>,
      %mul3A_228 = arith.mulf %gather3A_226, %gather3A_227 : vector<16xf32>
      %add3A_229 = arith.addf %add3A_225, %mul3A_228 : vector<16xf32>
      %gather3A_230 = tpu.vector_load_idx %arg9[%add3A_213, %and3A_41] : memref<512x32xf32, #tpu.memory_space<vmem>>[vector<16xi32>, vector<16xi32>], vector<16xf32>,
      %gather3A_231 = tpu.vector_load_idx %arg10[%add3A_213, %and3A_41] : memref<512x32xf32, #tpu.memory_space<vmem>>[vector<16xi32>, vector<16xi32>], vector<16xf32>,
      %mul3A_232 = arith.mulf %gather3A_230, %gather3A_231 : vector<16xf32>
      %add3A_233 = arith.addf %add3A_229, %mul3A_232 : vector<16xf32>
      %gather3A_234 = tpu.vector_load_idx %arg9[%add3A_213, %and3A_47] : memref<512x32xf32, #tpu.memory_space<vmem>>[vector<16xi32>, vector<16xi32>], vector<16xf32>,
      %gather3A_235 = tpu.vector_load_idx %arg10[%add3A_213, %and3A_47] : memref<512x32xf32, #tpu.memory_space<vmem>>[vector<16xi32>, vector<16xi32>], vector<16xf32>,
      %mul3A_236 = arith.mulf %gather3A_234, %gather3A_235 : vector<16xf32>
      %add3A_237 = arith.addf %add3A_233, %mul3A_236 : vector<16xf32>
      %gather3A_238 = tpu.vector_load_idx %arg9[%add3A_213, %and3A_53] : memref<512x32xf32, #tpu.memory_space<vmem>>[vector<16xi32>, vector<16xi32>], vector<16xf32>,
      %gather3A_239 = tpu.vector_load_idx %arg10[%add3A_213, %and3A_53] : memref<512x32xf32, #tpu.memory_space<vmem>>[vector<16xi32>, vector<16xi32>], vector<16xf32>,
      %mul3A_240 = arith.mulf %gather3A_238, %gather3A_239 : vector<16xf32>
      %add3A_241 = arith.addf %add3A_237, %mul3A_240 : vector<16xf32>
      %gather3A_242 = tpu.vector_load_idx %arg9[%add3A_213, %and3A_59] : memref<512x32xf32, #tpu.memory_space<vmem>>[vector<16xi32>, vector<16xi32>], vector<16xf32>,
      %gather3A_243 = tpu.vector_load_idx %arg10[%add3A_213, %and3A_59] : memref<512x32xf32, #tpu.memory_space<vmem>>[vector<16xi32>, vector<16xi32>], vector<16xf32>,
      %mul3A_244 = arith.mulf %gather3A_242, %gather3A_243 : vector<16xf32>
      %add3A_245 = arith.addf %add3A_241, %mul3A_244 : vector<16xf32>
      %gather3A_246 = tpu.vector_load_idx %arg9[%add3A_213, %and3A_65] : memref<512x32xf32, #tpu.memory_space<vmem>>[vector<16xi32>, vector<16xi32>], vector<16xf32>,
      %gather3A_247 = tpu.vector_load_idx %arg10[%add3A_213, %and3A_65] : memref<512x32xf32, #tpu.memory_space<vmem>>[vector<16xi32>, vector<16xi32>], vector<16xf32>,
      %mul3A_248 = arith.mulf %gather3A_246, %gather3A_247 : vector<16xf32>
      %add3A_249 = arith.addf %add3A_245, %mul3A_248 : vector<16xf32>
      %gather3A_250 = tpu.vector_load_idx %arg9[%add3A_213, %and3A_71] : memref<512x32xf32, #tpu.memory_space<vmem>>[vector<16xi32>, vector<16xi32>], vector<16xf32>,
      %gather3A_251 = tpu.vector_load_idx %arg10[%add3A_213, %and3A_71] : memref<512x32xf32, #tpu.memory_space<vmem>>[vector<16xi32>, vector<16xi32>], vector<16xf32>,
      %mul3A_252 = arith.mulf %gather3A_250, %gather3A_251 : vector<16xf32>
      %add3A_253 = arith.addf %add3A_249, %mul3A_252 : vector<16xf32>
      %gather3A_254 = tpu.vector_load_idx %arg9[%add3A_213, %and3A_77] : memref<512x32xf32, #tpu.memory_space<vmem>>[vector<16xi32>, vector<16xi32>], vector<16xf32>,
      %gather3A_255 = tpu.vector_load_idx %arg10[%add3A_213, %and3A_77] : memref<512x32xf32, #tpu.memory_space<vmem>>[vector<16xi32>, vector<16xi32>], vector<16xf32>,
      %mul3A_256 = arith.mulf %gather3A_254, %gather3A_255 : vector<16xf32>
      %add3A_257 = arith.addf %add3A_253, %mul3A_256 : vector<16xf32>
      %gather3A_258 = tpu.vector_load_idx %arg9[%add3A_213, %and3A_83] : memref<512x32xf32, #tpu.memory_space<vmem>>[vector<16xi32>, vector<16xi32>], vector<16xf32>,
      %gather3A_259 = tpu.vector_load_idx %arg10[%add3A_213, %and3A_83] : memref<512x32xf32, #tpu.memory_space<vmem>>[vector<16xi32>, vector<16xi32>], vector<16xf32>,
      %mul3A_260 = arith.mulf %gather3A_258, %gather3A_259 : vector<16xf32>
      %add3A_261 = arith.addf %add3A_257, %mul3A_260 : vector<16xf32>
      %gather3A_262 = tpu.vector_load_idx %arg9[%add3A_213, %and3A_89] : memref<512x32xf32, #tpu.memory_space<vmem>>[vector<16xi32>, vector<16xi32>], vector<16xf32>,
      %gather3A_263 = tpu.vector_load_idx %arg10[%add3A_213, %and3A_89] : memref<512x32xf32, #tpu.memory_space<vmem>>[vector<16xi32>, vector<16xi32>], vector<16xf32>,
      %mul3A_264 = arith.mulf %gather3A_262, %gather3A_263 : vector<16xf32>
      %add3A_265 = arith.addf %add3A_261, %mul3A_264 : vector<16xf32>
      %gather3A_266 = tpu.vector_load_idx %arg9[%add3A_213, %and3A_95] : memref<512x32xf32, #tpu.memory_space<vmem>>[vector<16xi32>, vector<16xi32>], vector<16xf32>,
      %gather3A_267 = tpu.vector_load_idx %arg10[%add3A_213, %and3A_95] : memref<512x32xf32, #tpu.memory_space<vmem>>[vector<16xi32>, vector<16xi32>], vector<16xf32>,
      %mul3A_268 = arith.mulf %gather3A_266, %gather3A_267 : vector<16xf32>
      %add3A_269 = arith.addf %add3A_265, %mul3A_268 : vector<16xf32>
      %gather3A_270 = tpu.vector_load_idx %arg9[%add3A_213, %and3A_101] : memref<512x32xf32, #tpu.memory_space<vmem>>[vector<16xi32>, vector<16xi32>], vector<16xf32>,
      %gather3A_271 = tpu.vector_load_idx %arg10[%add3A_213, %and3A_101] : memref<512x32xf32, #tpu.memory_space<vmem>>[vector<16xi32>, vector<16xi32>], vector<16xf32>,
      %mul3A_272 = arith.mulf %gather3A_270, %gather3A_271 : vector<16xf32>
      %add3A_273 = arith.addf %add3A_269, %mul3A_272 : vector<16xf32>
      %gather3A_274 = tpu.vector_load_idx %arg9[%add3A_213, %and3A_107] : memref<512x32xf32, #tpu.memory_space<vmem>>[vector<16xi32>, vector<16xi32>], vector<16xf32>,
      %gather3A_275 = tpu.vector_load_idx %arg10[%add3A_213, %and3A_107] : memref<512x32xf32, #tpu.memory_space<vmem>>[vector<16xi32>, vector<16xi32>], vector<16xf32>,
      %mul3A_276 = arith.mulf %gather3A_274, %gather3A_275 : vector<16xf32>
      %add3A_277 = arith.addf %add3A_273, %mul3A_276 : vector<16xf32>
      %gather3A_278 = tpu.vector_load_idx %arg9[%add3A_213, %and3A_113] : memref<512x32xf32, #tpu.memory_space<vmem>>[vector<16xi32>, vector<16xi32>], vector<16xf32>,
      %gather3A_279 = tpu.vector_load_idx %arg10[%add3A_213, %and3A_113] : memref<512x32xf32, #tpu.memory_space<vmem>>[vector<16xi32>, vector<16xi32>], vector<16xf32>,
      %mul3A_280 = arith.mulf %gather3A_278, %gather3A_279 : vector<16xf32>
      %add3A_281 = arith.addf %add3A_277, %mul3A_280 : vector<16xf32>
      %gather3A_282 = tpu.vector_load_idx %arg9[%add3A_213, %and3A_119] : memref<512x32xf32, #tpu.memory_space<vmem>>[vector<16xi32>, vector<16xi32>], vector<16xf32>,
      %gather3A_283 = tpu.vector_load_idx %arg10[%add3A_213, %and3A_119] : memref<512x32xf32, #tpu.memory_space<vmem>>[vector<16xi32>, vector<16xi32>], vector<16xf32>,
      %mul3A_284 = arith.mulf %gather3A_282, %gather3A_283 : vector<16xf32>
      %add3A_285 = arith.addf %add3A_281, %mul3A_284 : vector<16xf32>
      %gather3A_286 = tpu.vector_load_idx %arg9[%add3A_213, %and3A_125] : memref<512x32xf32, #tpu.memory_space<vmem>>[vector<16xi32>, vector<16xi32>], vector<16xf32>,
      %gather3A_287 = tpu.vector_load_idx %arg10[%add3A_213, %and3A_125] : memref<512x32xf32, #tpu.memory_space<vmem>>[vector<16xi32>, vector<16xi32>], vector<16xf32>,
      %mul3A_288 = arith.mulf %gather3A_286, %gather3A_287 : vector<16xf32>
      %add3A_289 = arith.addf %add3A_285, %mul3A_288 : vector<16xf32>
      %gather3A_290 = tpu.vector_load_idx %arg9[%add3A_213, %and3A_131] : memref<512x32xf32, #tpu.memory_space<vmem>>[vector<16xi32>, vector<16xi32>], vector<16xf32>,
      %gather3A_291 = tpu.vector_load_idx %arg10[%add3A_213, %and3A_131] : memref<512x32xf32, #tpu.memory_space<vmem>>[vector<16xi32>, vector<16xi32>], vector<16xf32>,
      %mul3A_292 = arith.mulf %gather3A_290, %gather3A_291 : vector<16xf32>
      %add3A_293 = arith.addf %add3A_289, %mul3A_292 : vector<16xf32>
      %gather3A_294 = tpu.vector_load_idx %arg9[%add3A_213, %and3A_137] : memref<512x32xf32, #tpu.memory_space<vmem>>[vector<16xi32>, vector<16xi32>], vector<16xf32>,
      %gather3A_295 = tpu.vector_load_idx %arg10[%add3A_213, %and3A_137] : memref<512x32xf32, #tpu.memory_space<vmem>>[vector<16xi32>, vector<16xi32>], vector<16xf32>,
      %mul3A_296 = arith.mulf %gather3A_294, %gather3A_295 : vector<16xf32>
      %add3A_297 = arith.addf %add3A_293, %mul3A_296 : vector<16xf32>
      %gather3A_298 = tpu.vector_load_idx %arg9[%add3A_213, %and3A_143] : memref<512x32xf32, #tpu.memory_space<vmem>>[vector<16xi32>, vector<16xi32>], vector<16xf32>,
      %gather3A_299 = tpu.vector_load_idx %arg10[%add3A_213, %and3A_143] : memref<512x32xf32, #tpu.memory_space<vmem>>[vector<16xi32>, vector<16xi32>], vector<16xf32>,
      %mul3A_300 = arith.mulf %gather3A_298, %gather3A_299 : vector<16xf32>
      %add3A_301 = arith.addf %add3A_297, %mul3A_300 : vector<16xf32>
      %gather3A_302 = tpu.vector_load_idx %arg9[%add3A_213, %and3A_149] : memref<512x32xf32, #tpu.memory_space<vmem>>[vector<16xi32>, vector<16xi32>], vector<16xf32>,
      %gather3A_303 = tpu.vector_load_idx %arg10[%add3A_213, %and3A_149] : memref<512x32xf32, #tpu.memory_space<vmem>>[vector<16xi32>, vector<16xi32>], vector<16xf32>,
      %mul3A_304 = arith.mulf %gather3A_302, %gather3A_303 : vector<16xf32>
      %add3A_305 = arith.addf %add3A_301, %mul3A_304 : vector<16xf32>
      %gather3A_306 = tpu.vector_load_idx %arg9[%add3A_213, %and3A_155] : memref<512x32xf32, #tpu.memory_space<vmem>>[vector<16xi32>, vector<16xi32>], vector<16xf32>,
      %gather3A_307 = tpu.vector_load_idx %arg10[%add3A_213, %and3A_155] : memref<512x32xf32, #tpu.memory_space<vmem>>[vector<16xi32>, vector<16xi32>], vector<16xf32>,
      %mul3A_308 = arith.mulf %gather3A_306, %gather3A_307 : vector<16xf32>
      %add3A_309 = arith.addf %add3A_305, %mul3A_308 : vector<16xf32>
      %gather3A_310 = tpu.vector_load_idx %arg9[%add3A_213, %and3A_161] : memref<512x32xf32, #tpu.memory_space<vmem>>[vector<16xi32>, vector<16xi32>], vector<16xf32>,
      %gather3A_311 = tpu.vector_load_idx %arg10[%add3A_213, %and3A_161] : memref<512x32xf32, #tpu.memory_space<vmem>>[vector<16xi32>, vector<16xi32>], vector<16xf32>,
      %mul3A_312 = arith.mulf %gather3A_310, %gather3A_311 : vector<16xf32>
      %add3A_313 = arith.addf %add3A_309, %mul3A_312 : vector<16xf32>
      %gather3A_314 = tpu.vector_load_idx %arg9[%add3A_213, %and3A_167] : memref<512x32xf32, #tpu.memory_space<vmem>>[vector<16xi32>, vector<16xi32>], vector<16xf32>,
      %gather3A_315 = tpu.vector_load_idx %arg10[%add3A_213, %and3A_167] : memref<512x32xf32, #tpu.memory_space<vmem>>[vector<16xi32>, vector<16xi32>], vector<16xf32>,
      %mul3A_316 = arith.mulf %gather3A_314, %gather3A_315 : vector<16xf32>
      %add3A_317 = arith.addf %add3A_313, %mul3A_316 : vector<16xf32>
      %gather3A_318 = tpu.vector_load_idx %arg9[%add3A_213, %and3A_173] : memref<512x32xf32, #tpu.memory_space<vmem>>[vector<16xi32>, vector<16xi32>], vector<16xf32>,
      %gather3A_319 = tpu.vector_load_idx %arg10[%add3A_213, %and3A_173] : memref<512x32xf32, #tpu.memory_space<vmem>>[vector<16xi32>, vector<16xi32>], vector<16xf32>,
      %mul3A_320 = arith.mulf %gather3A_318, %gather3A_319 : vector<16xf32>
      %add3A_321 = arith.addf %add3A_317, %mul3A_320 : vector<16xf32>
      %gather3A_322 = tpu.vector_load_idx %arg9[%add3A_213, %and3A_179] : memref<512x32xf32, #tpu.memory_space<vmem>>[vector<16xi32>, vector<16xi32>], vector<16xf32>,
      %gather3A_323 = tpu.vector_load_idx %arg10[%add3A_213, %and3A_179] : memref<512x32xf32, #tpu.memory_space<vmem>>[vector<16xi32>, vector<16xi32>], vector<16xf32>,
      %mul3A_324 = arith.mulf %gather3A_322, %gather3A_323 : vector<16xf32>
      %add3A_325 = arith.addf %add3A_321, %mul3A_324 : vector<16xf32>
      %gather3A_326 = tpu.vector_load_idx %arg9[%add3A_213, %and3A_185] : memref<512x32xf32, #tpu.memory_space<vmem>>[vector<16xi32>, vector<16xi32>], vector<16xf32>,
      %gather3A_327 = tpu.vector_load_idx %arg10[%add3A_213, %and3A_185] : memref<512x32xf32, #tpu.memory_space<vmem>>[vector<16xi32>, vector<16xi32>], vector<16xf32>,
      %mul3A_328 = arith.mulf %gather3A_326, %gather3A_327 : vector<16xf32>
      %add3A_329 = arith.addf %add3A_325, %mul3A_328 : vector<16xf32>
      %gather3A_330 = tpu.vector_load_idx %arg9[%add3A_213, %and3A_191] : memref<512x32xf32, #tpu.memory_space<vmem>>[vector<16xi32>, vector<16xi32>], vector<16xf32>,
      %gather3A_331 = tpu.vector_load_idx %arg10[%add3A_213, %and3A_191] : memref<512x32xf32, #tpu.memory_space<vmem>>[vector<16xi32>, vector<16xi32>], vector<16xf32>,
      %mul3A_332 = arith.mulf %gather3A_330, %gather3A_331 : vector<16xf32>
      %add3A_333 = arith.addf %add3A_329, %mul3A_332 : vector<16xf32>
      %gather3A_334 = tpu.vector_load_idx %arg9[%add3A_213, %and3A_197] : memref<512x32xf32, #tpu.memory_space<vmem>>[vector<16xi32>, vector<16xi32>], vector<16xf32>,
      %gather3A_335 = tpu.vector_load_idx %arg10[%add3A_213, %and3A_197] : memref<512x32xf32, #tpu.memory_space<vmem>>[vector<16xi32>, vector<16xi32>], vector<16xf32>,
      %mul3A_336 = arith.mulf %gather3A_334, %gather3A_335 : vector<16xf32>
      %add3A_337 = arith.addf %add3A_333, %mul3A_336 : vector<16xf32>
      %gather3A_338 = tpu.vector_load_idx %arg9[%add3A_213, %and3A_203] : memref<512x32xf32, #tpu.memory_space<vmem>>[vector<16xi32>, vector<16xi32>], vector<16xf32>,
      %gather3A_339 = tpu.vector_load_idx %arg10[%add3A_213, %and3A_203] : memref<512x32xf32, #tpu.memory_space<vmem>>[vector<16xi32>, vector<16xi32>], vector<16xf32>,
      %mul3A_340 = arith.mulf %gather3A_338, %gather3A_339 : vector<16xf32>
      %add3A_341 = arith.addf %add3A_337, %mul3A_340 : vector<16xf32>
      %mul3A_342 = arith.constant 16 : i32
      %mul3A_343 = arith.muli %scan3A_209, %mul3A_342 : i32
      %swap3A = arith.index_cast %mul3A_343 : i32 to index
      %swap3A_344 = tpu.vector_load %arg11[%swap3A] {strides = array<i32>} : memref<512xf32, #tpu.memory_space<vmem>>, vector<16xf32>,
      tpu.vector_store %arg11[%swap3A], %add3A_341 {strides = array<i32>} : memref<512xf32, #tpu.memory_space<vmem>>, vector<16xf32>,
    }
    %scan3A_208 = arith.constant 32 : i32
    "tpu.region"() ({
      %run_scoped3A = tpu.sem_alloc : memref<!tpu.dma_semaphore, #tpu.memory_space<semaphore_mem>>
      %dma_start3A_209 = tpu.memref_slice %arg6[%mul3A_2] : memref<16384xf32, #tpu.memory_space<hbm>> -> memref<512xf32, #tpu.memory_space<hbm>>
      %dma_start3A_210 = tpu.memref_slice %arg6[%mul3A_2] : memref<16384xf32, #tpu.memory_space<hbm>> -> memref<512xf32, #tpu.memory_space<hbm>>
      tpu.enqueue_dma source(%arg11 : memref<512xf32, #tpu.memory_space<vmem>>) target(%dma_start3A_210 : memref<512xf32, #tpu.memory_space<hbm>>) target_semaphore(%run_scoped3A : memref<!tpu.dma_semaphore, #tpu.memory_space<semaphore_mem>>)
      %dma_wait3A_211 = tpu.memref_slice %arg6[%mul3A_2] : memref<16384xf32, #tpu.memory_space<hbm>> -> memref<512xf32, #tpu.memory_space<hbm>>
      %dma_wait3A_212 = tpu.memref_slice %arg6[%mul3A_2] : memref<16384xf32, #tpu.memory_space<hbm>> -> memref<512xf32, #tpu.memory_space<hbm>>
      tpu.wait_dma2 semaphore(%run_scoped3A : memref<!tpu.dma_semaphore, #tpu.memory_space<semaphore_mem>>) src(%arg11 : memref<512xf32, #tpu.memory_space<vmem>>) dst(%dma_wait3A_212 : memref<512xf32, #tpu.memory_space<hbm>>)
      tpu.yield
    }) : () -> ()
    return
  }
}

module attributes {stable_mosaic.version = 14 : i64} {
  func.func @_xpose_body(%arg0: i32, %arg1: memref<32x3200xf32, #tpu.memory_space<vmem>>, %arg2: memref<3200x32xf32, #tpu.memory_space<vmem>>) attributes {dimension_semantics = [#tpu.dimension_semantics<arbitrary>], iteration_bounds = array<i64: 313>, scalar_prefetch = 0 : i64, scratch_operands = 0 : i64, tpu.core_type = #tpu.core_type<tc>, window_params = [{transform_indices = @transform_0, window_bounds = array<i64: 32, 3200>}, {transform_indices = @transform_1, window_bounds = array<i64: 3200, 32>}]} {
    %get3A = arith.constant 0 : index
    %get3A_0 = arith.constant 0 : index
    %get3A_1 = vector.load %arg1[%get3A, %get3A_0] : memref<32x3200xf32, #tpu.memory_space<vmem>>, vector<32x3200xf32>
    %transpose3A = tpu.transpose %get3A_1, [1, 0] : vector<32x3200xf32> -> vector<3200x32xf32>
    %swap3A = arith.constant 0 : index
    %swap3A_2 = arith.constant 0 : index
    %swap3A_3 = vector.load %arg2[%swap3A, %swap3A_2] : memref<3200x32xf32, #tpu.memory_space<vmem>>, vector<3200x32xf32>
    tpu.vector_store %arg2[%swap3A, %swap3A_2], %transpose3A {strides = array<i32>} : memref<3200x32xf32, #tpu.memory_space<vmem>>, vector<3200x32xf32>,
    return
  }
  func.func @transform_0(%arg0: i32) -> (i32, i32) {
    %c0_i32 = arith.constant 0 : i32
    %c0_i32_0 = arith.constant 0 : i32
    return %c0_i32, %arg0 : i32, i32
  }
  func.func @transform_1(%arg0: i32) -> (i32, i32) {
    %c0_i32 = arith.constant 0 : i32
    %c0_i32_0 = arith.constant 0 : i32
    return %arg0, %c0_i32 : i32, i32
  }
}

</mosaic_0001>

<sc_bundles>
// kernel: _run.5.cloned.1.call-start
scs
__scs_entry_jumppad:
0x0: {  	(pc) =	sbr.rel $0x88, $3  }
0x1: {  	(tag) =	ssettag $0x0;
	lr =	simm.s32 $0x1  }
0x2: {  	[smem:$0x3F9D] =	sst lr;
	_ =	strace $0xD0000000  }
0x3: {  	_ = 	snop  }
0x4: {  	_ = 	snop  }
0x5: {  	_ = 	snop  }
0x6: {  	_ = 	snop  }
0x7: {  	_ = 	snop  }
__scs_overlays_trampoline_lowered:
0x8: {  	[smem:$0x3FAC] =	sst s0  }
0x9: {  	[smem:$0x3FAD] =	sst s1  }
0xa: {  	[smem:$0x3FAE] =	sst s2  }
0xb: {  	[smem:$0x3FAF] =	sst s3  }
0xc: {  	[smem:$0x3FB0] =	sst s4  }
0xd: {  	[smem:$0x3FB1] =	sst s5  }
0xe: {  	[smem:$0x3FB2] =	sst s6  }
0xf: {  	[smem:$0x3FB3] =	sst s7  }
0x10: {  	[smem:$0x3FB4] =	sst s8  }
0x11: {  	[smem:$0x3FB5] =	sst s9;
	s0 =	simm.s32 @!p0 $0x0  }
0x12: {  	s1 =	sld [smem:$0x3F9B];
	s0 =	simm.s32 @p0 $0x1  }
0x13: {  	[smem:$0x3FB6] =	sst s0;
	s0 =	simm.s32 @!p1 $0x0  }
0x14: {  	s2 =	sld [smem:$0x3F9A];
	s0 =	simm.s32 @p1 $0x1  }
0x15: {  	[smem:$0x3FB7] =	sst s0;
	s0 =	simm.s32 @!p2 $0x0  }
0x16: {  	s3 =	sld [smem:$0x3FDB];
	s0 =	simm.s32 @p2 $0x1  }
0x17: {  	s4 =	simm.s32 $0x1BF5;
	[smem:$0x3FB9] =	sst s0  }
0x18: {  	s0 =	sld [smem:$0x3F9C];
	_ =	swait.ge [sflag:s4], $0x0  }
0x19: {  	s7 =	sld [smem:$0x3F9D]  }
0x1a: {  	s8 =	sadd.s32 $0xFFFFE003, lr  }
0x1b: {  	s9 =	sadd.s32 $0xFFFFFEF7, lr;
	s5 =	simm.s32 $0xFFFFFFFF;
	p2 =	slt.u32 s8, $0xFFFFF086  }
0x1c: {  	p1 =	slt.u32 s9, $0xF7A;
	s5 =	simm.s32 @!p2 $0x0  }
0x1d: {  	s5 =	simm.s32 @p1 $0x1;
	p0 =	seq.s32 s7, s2  }
0x1e: {  	s7 =	smul.u32 @!p0 $0xF7A, s2;
	p2 =	seq.s32 @!p0 s5, $0x0  }
0x1f: {  	s9 =	smul.u32 $0xF7A, s1;
	s8 =	simm.s32 @!p0 $0x1BF5;
	p2 =	por !p2, p0  }
0x20: {  	[sflag:s8] =	ssyncset.s32 @!p0 $0xFFFFF086;
	s6 =	sadd.s32 @!p0 s3, s7;
	s7 =	simm.s32 @!p0 $0x108  }
0x21: {  	s3 =	sadd.s32 s3, s9;
	s6 =	sadd.s32 @!p0 $0x88, s6;
	s7 =	simm.s32 @p2 $0x1082  }
0x22: {  	[simem:s7], [sflag:s8] =	dma.local @!p0 [hbm:s6], $0xF7A  }
0x23: {  	s9 =	sor.u32 $0xD0000000, s2;
	s6 =	simm.s32 $0x108;
	_ =	swait.ge @!p0 [sflag:s8], $0x0  }
0x24: {  	s3 =	sadd.s32 $0x88, s3;
	s6 =	simm.s32 @!p1 $0x1082;
	[sflag:s4] =	ssyncset.s32 $0xFFFFF086  }
0x25: {  	[simem:s6], [sflag:s4] =	dma.local [hbm:s3], $0xF7A  }
0x26: {  	[smem:$0x3F9D] =	sst s1;
	(tag) =	ssettag s2;
	_ =	strace s9  }
0x27: {  	s1 =	sld [smem:$0x3FAD]  }
0x28: {  	s2 =	sld [smem:$0x3FAE]  }
0x29: {  	s4 =	sld [smem:$0x3FB0]  }
0x2a: {  	p0 =	seq.s32 s5, $0x0;
	s5 =	sld [smem:$0x3FB1]  }
0x2b: {  	s6 =	sld [smem:$0x3FB2]  }
0x2c: {  	s7 =	sld [smem:$0x3FB3]  }
0x2d: {  	s3 =	simm.s32 $0x108;
	s8 =	sld [smem:$0x3FB4]  }
0x2e: {  	s3 =	simm.s32 @!p0 $0x1082;
	s9 =	sld [smem:$0x3FB5]  }
0x2f: {  	lr =	sadd.s32 s0, s3;
	s0 =	sld [smem:$0x3FAC]  }
0x30: {  	s3 =	sld [smem:$0x3FAF]  }
0x31: {  	[smem:$0x3FB8] =	sst s10  }
0x32: {  	s10 =	sld [smem:$0x3FB6];
	_ =	sdelay $0x3  }
0x33: {  	p0 =	seq.s32 s10, $0x1;
	s10 =	sld [smem:$0x3FB8];
	_ =	sdelay $0x3  }
0x34: {  	[smem:$0x3FB8] =	sst s10  }
0x35: {  	s10 =	sld [smem:$0x3FB7];
	_ =	sdelay $0x3  }
0x36: {  	p1 =	seq.s32 s10, $0x1;
	s10 =	sld [smem:$0x3FB8];
	_ =	sdelay $0x3  }
0x37: {  	[smem:$0x3FB8] =	sst s10  }
0x38: {  	s10 =	sld [smem:$0x3FB9]  }
0x39: {  	_ = 	snop;
	(pc) =	sbr.ind lr, $3  }
0x3a: {  	_ = 	snop  }
0x3b: {  	_ = 	snop  }
0x3c: {  	p2 =	seq.s32 s10, $0x1;
	s10 =	sld [smem:$0x3FB8]  }
0x3d: {  	_ =	shalt  }
0x3e: {  	_ =	shalt  }
0x3f: {  	_ =	shalt  }
0x40: {  	_ =	shalt  }
0x41: {  	_ =	shalt  }
0x42: {  	_ =	shalt  }
0x43: {  	_ =	shalt  }
0x44: {  	_ =	shalt  }
0x45: {  	_ =	shalt  }
0x46: {  	_ =	shalt  }
0x47: {  	_ =	shalt  }
0x48: {  	_ =	shalt  }
0x49: {  	_ =	shalt  }
0x4a: {  	_ =	shalt  }
0x4b: {  	_ =	shalt  }
0x4c: {  	_ =	shalt  }
0x4d: {  	_ =	shalt  }
0x4e: {  	_ =	shalt  }
0x4f: {  	_ =	shalt  }
0x50: {  	_ =	shalt  }
0x51: {  	_ =	shalt  }
0x52: {  	_ =	shalt  }
0x53: {  	_ =	shalt  }
0x54: {  	_ =	shalt  }
0x55: {  	_ =	shalt  }
0x56: {  	_ =	shalt  }
0x57: {  	_ =	shalt  }
0x58: {  	_ =	shalt  }
0x59: {  	_ =	shalt  }
0x5a: {  	_ =	shalt  }
0x5b: {  	_ =	shalt  }
0x5c: {  	_ =	shalt  }
0x5d: {  	_ =	shalt  }
0x5e: {  	_ =	shalt  }
0x5f: {  	_ =	shalt  }
0x60: {  	_ =	shalt  }
0x61: {  	_ =	shalt  }
0x62: {  	_ =	shalt  }
0x63: {  	_ =	shalt  }
0x64: {  	_ =	shalt  }
0x65: {  	_ =	shalt  }
0x66: {  	_ =	shalt  }
0x67: {  	_ =	shalt  }
0x68: {  	_ =	shalt  }
0x69: {  	_ =	shalt  }
0x6a: {  	_ =	shalt  }
0x6b: {  	_ =	shalt  }
0x6c: {  	_ =	shalt  }
0x6d: {  	_ =	shalt  }
0x6e: {  	_ =	shalt  }
0x6f: {  	_ =	shalt  }
0x70: {  	_ =	shalt  }
0x71: {  	_ =	shalt  }
0x72: {  	_ =	shalt  }
0x73: {  	_ =	shalt  }
0x74: {  	_ =	shalt  }
0x75: {  	_ =	shalt  }
0x76: {  	_ =	shalt  }
0x77: {  	_ =	shalt  }
0x78: {  	_ =	shalt  }
0x79: {  	_ =	shalt  }
0x7a: {  	_ =	shalt  }
0x7b: {  	_ =	shalt  }
0x7c: {  	_ =	shalt  }
0x7d: {  	_ =	shalt  }
0x7e: {  	_ =	shalt  }
0x7f: {  	_ =	shalt  }
0x80: {  	_ =	shalt  }
0x81: {  	_ =	shalt  }
0x82: {  	_ =	shalt  }
0x83: {  	_ =	shalt  }
0x84: {  	_ =	shalt  }
0x85: {  	_ =	shalt  }
0x86: {  	_ =	shalt  }
0x87: {  	_ =	shalt  }
.Lfunc_end0:
.L_simem_size_0:
called_computation_lowered:
.L_overlay_start_0:
0x88: {  	s2 =	sld [smem:$0x3FD9]  }
0x89: {  	s3 =	sld [smem:$0x3FFE];
	_ =	sdelay $0x1  }
0x8a: {  	s1 =	srdreg.scid  }
0x8b: {  	s0 =	sand.u32 $0x1, s1  }
0x8c: {  	s17 =	sshll.u32 s0, $0xA;
	s2 =	sadd.s32 s3, s2  }
0x8d: {  	s2 =	sadd.s32 s2, s17  }
0x8e: {  	[smem:$0x3FC4] =	sst s2  }
0x8f: {  	_ = 	snop  }
0x90: {  	s2 =	sld [smem:$0x3FC9]  }
0x91: {  	s18 =	sld [smem:$0x3FC8]  }
0x92: {  	s4 =	sld [smem:$0x3FD0];
	(tm) =	ssettm $0x1  }
0x93: {  	s5 =	sld [smem:$0x3FFB];
	_ =	sdelay $0x3  }
0x94: {  	_ =	strace s5  }
0x95: {  	s5 =	sld [smem:$0x3FFC];
	_ =	sdelay $0x3  }
0x96: {  	_ =	strace s5  }
0x97: {  	s5 =	sld [smem:$0x3FFD];
	_ =	sdelay $0x3  }
0x98: {  	_ =	strace s5  }
0x99: {  	_ =	strace $0x8FFFFFFF  }
0x9a: {  	s19 =	sld [smem:$0x3FDB];
	_ =	sdelay $0x1  }
0x9b: {  	s6 =	simm.s32 $_scs_section_size  }
0x9c: {  	s7 =	simm.s32 $_size__tile_overlayer_lowered;
	s8 =	simm.s32 $_tile_overlayer_lowered  }
0x9d: {  	s22 =	simm.s32 $0x1BFF;
	s21 =	sshll.u32 s8, $0x1;
	s5 =	sadd.s32 s6, s19  }
0x9e: {  	s9 =	simm.s32 $0x0;
	s20 =	sshll.u32 s7, $0x1;
	s7 =	sadd.s32 s21, s5  }
0x9f: {  	[timem:s9], [sflag:s22] =	dma.local [hbm:s7], s20  }
0xa0: {  	_ =	swait.ge [sflag:s22], s20  }
0xa1: {  	s6 =	ssub.s32 $0x0, s20;
	[sflag:s22] =	ssyncset.done $0x0  }
0xa2: {  	[sflag:s22] =	ssyncadd.s32 s6;
	_ =	sdelay $0x1  }
0xa3: {  	s23 =	simm.s32 $0x1B8B  }
0xa4: {  	_ =	swait.ge [sflag:s23], $0x1  }
0xa5: {  	[sflag:s23] =	ssyncset.done $0x0  }
0xa6: {  	s25 =	simm.s32 $0x1B8E;
	s24 =	sld [smem:$0x3FFE];
	[sflag:s23] =	ssyncadd.s32 $0xFFFFFFFF  }
0xa7: {  	s26 =	simm.s32 $execute0_lowered;
	[smem:$0x3FD2] =	sst s25  }
0xa8: {  	s7 =	sshll.u32 s26, $0x1;
	_ =	strace $0x80000046;
	[dreg:$0x1] =	wrdreg $0xFFFFFFFF  }
0xa9: {  	s28 =	simm.s32 $_size_execute0_lowered;
	s5 =	sadd.s32 s5, s7;
	[dreg:$0x0] =	wrdreg $0x0  }
0xaa: {  	s7 =	sshll.u32 s28, $0x1;
	[dreg:$0x2] =	wrdreg s5  }
0xab: {  	[dreg:$0x3] =	wrdreg s7  }
0xac: {  	[dreg:$0x4] =	wrdreg $0xC0  }
0xad: {  	_ =	task [dreg:s9], $0x5FFFF  }
0xae: {  	[dreg:$0x1] =	wrdreg $0xFFFFFFFF  }
0xaf: {  	[dreg:$0x0] =	wrdreg $0x60  }
0xb0: {  	[dreg:$0x2] =	wrdreg s2  }
0xb1: {  	[dreg:$0x3] =	wrdreg s18  }
0xb2: {  	[dreg:$0x4] =	wrdreg s24  }
0xb3: {  	[dreg:$0x5] =	wrdreg s4  }
0xb4: {  	[dreg:$0x6] =	wrdreg $0x9  }
0xb5: {  	_ =	task.clear_ibuf [dreg:s9], $0x7FFFF;
	_ =	strace $0x90000046  }
0xb6: {  	s29 =	simm.s32 $0x9;
	_ =	strace $0x80000048  }
0xb7: {  	_ =	swait.ge [sflag:s29], $0x1  }
0xb8: {  	[sflag:s29] =	ssyncadd.s32 $0xFFFFFFFF  }
0xb9: {  	_ =	strace $0x90000048  }
0xba: {  	_ =	sfence  }
0xbb: {  	s30 =	sld [smem:$0x0];
	_ =	sdelay $0x2  }
0xbc: {  	s31 =	sshll.u32 s1, $0xD;
	s1 =	sshrl.u32 s1, $0x2  }
0xbd: {  	s3 =	sand.u32 $0x4000, s31;
	s1 =	sadd.s32 s1, s30  }
0xbe: {  	s0 =	sor.u32 s3, s0;
	s1 =	sshll.u32 s1, $0x11  }
0xbf: {  	s0 =	sor.u32 s1, s0  }
0xc0: {  	s0 =	sadd.s32 $0x8F2B, s0  }
0xc1: {  	[sflag:s0] =	ssyncadd.remote.s32 $0x1  }
0xc2: {  	_ =	sfence.sel $0xFFFF  }
0xc3: {  	[dreg:$0x0] =	wrdreg $0xFFFFFFFF;
	(pc) =	sbr.abs _section_cstart, $3  }
0xc4: {  	[dreg:$0x1] =	wrdreg $0xFFFFFFFF  }
0xc5: {  	_ =	task.clear_ibuf [dreg:s9], $0x2FFFF;
	_ =	strace $0x9FFFFFFF  }
0xc6: {  	(tm) =	ssettm $0x7FFFFFFF  }
0xc7: {  	_ =	shalt  }
tec
execute0_lowered:
.L_overlay_start_1:
0x0: {  	(tag) =	ssettag $0x1  }
0x1: {  	v0 =	vlaneseq.u32;
	v17 =	vimm.s32 $0x14131211;
	v18 =	vimm.s32 $0x18171615  }
0x2: {  	v19 =	vimm.s32 $0x1C1B1A19;
	v21 =	vimm.s32 $0x19181716;
	vm0 =	vcmask $0x1F10  }
0x3: {  	v22 =	vimm.s32 $0x1D1C1B1A;
	v24 =	vimm.s32 $0x16151413;
	v26 =	vimm.s32 $0x1A191817  }
0x4: {  	v29 =	vimm.s32 $0x201001F;
	v30 =	vimm.s32 $0x3020100;
	v31 =	vimm.s32 $0x1F1E1D1C  }
0x5: {  	v32 =	vimm.s32 $0x17161514;
	v33 =	vimm.s32 $0x1B1A1918;
	v53 =	vimm.s32 $0x4030201  }
0x6: {  	v54 =	vimm.s32 $0x5040302;
	v38 =	vimm.s32 $0x6050403;
	v55 =	vimm.s32 $0x98765432  }
0x7: {  	v56 =	vimm.s32 $0xA9876543;
	v57 =	vimm.s32 $0x32107654;
	v59 =	vimm.s32 $0x43218765  }
0x8: {  	v60 =	vimm.s32 $0x54329876;
	v61 =	vimm.s32 $0x6543A987;
	vm15 =	vcmask $0x2F10  }
0x9: {  	vm1 =	vcmask $0x3F30;
	v1 =	vmul.u32 $0x20, v0;
	v2 =	vadd.s32 $0x1, v0  }
0xa: {  	v3 =	vadd.s32 $0x2, v0;
	v4 =	vadd.s32 $0x3, v0;
	v5 =	vadd.s32 $0x4, v0  }
0xb: {  	v6 =	vadd.s32 $0x5, v0;
	v7 =	vadd.s32 $0x6, v0;
	v8 =	vadd.s32 $0x7, v0  }
0xc: {  	v9 =	vadd.s32 $0x8, v0;
	v10 =	vadd.s32 $0x9, v0;
	v11 =	vadd.s32 $0xA, v0  }
0xd: {  	v12 =	vadd.s32 $0xB, v0;
	v13 =	vadd.s32 $0xC, v0;
	v14 =	vadd.s32 $0xD, v0  }
0xe: {  	v15 =	vadd.s32 $0xE, v0;
	v17 =	vunpack.c.0.s8.s32 v17;
	v20 =	vunpack.c.0.s8.s32 v18  }
0xf: {  	v19 =	vunpack.c.0.s8.s32 v19;
	v18 =	vimm.s32 $0x1F1E1D;
	v21 =	vunpack.c.0.s8.s32 v21  }
0x10: {  	v22 =	vunpack.c.0.s8.s32 v22;
	v27 =	vunpack.c.0.s8.s32 v18;
	v18 =	vimm.s32 $0x15141312  }
0x11: {  	v29 =	vunpack.c.0.s8.s32 v29;
	v30 =	vunpack.c.0.s8.s32 v30;
	v18 =	vunpack.c.0.s8.s32 v18  }
0x12: {  	v31 =	vunpack.c.0.s8.s32 v31;
	v32 =	vunpack.c.0.s8.s32 v32;
	v33 =	vunpack.c.0.s8.s32 v33  }
0x13: {  	v17 =	vsel vm0, v20, v17;
	v23 =	vsel vm0, v21, v18;
	v18 =	vimm.s32 $0x1001F1E  }
0x14: {  	v37 =	vsel vm0, v19, v20;
	v25 =	vsel vm0, v27, v19;
	v28 =	vunpack.c.0.s8.s32 v18  }
0x15: {  	v18 =	vunpack.c.0.s8.s32 v24;
	v24 =	vunpack.c.0.s8.s32 v26;
	v26 =	vimm.s32 $0x1E1D1C1B  }
0x16: {  	v17 =	vcombine.low v17, v25;
	v26 =	vunpack.c.0.s8.s32 v26;
	v34 =	vsel vm0, v28, v22  }
0x17: {  	v35 =	vsel vm0, v24, v18;
	v18 =	vsel vm0, v30, v31;
	v30 =	vsel vm0, v33, v32  }
0x18: {  	v32 =	vunpack.c.0.s8.s32 v54;
	v22 =	vsel vm0, v22, v21;
	v36 =	vsel vm0, v29, v26  }
0x19: {  	v18 =	vcombine.low v30, v18;
	v30 =	vunpack.c.0.s8.s32 v53;
	v19 =	vcombine.low v23, v34  }
0x1a: {  	v23 =	vunpack.c.0.s8.s32 v38;
	v24 =	vsel vm0, v26, v24;
	v26 =	vimm.s32 $0x76543210  }
0x1b: {  	v20 =	vcombine.low v35, v36;
	v32 =	vsel vm0, v32, v28;
	v30 =	vsel vm0, v30, v27  }
0x1c: {  	v26 =	vunpack.c.l.s4.s8 v26;
	v21 =	vcombine.low v37, v30;
	v30 =	vimm.s32 $0x87654321  }
0x1d: {  	v22 =	vcombine.low v22, v32;
	v23 =	vsel vm0, v23, v29;
	v30 =	vunpack.c.l.s4.s8 v30  }
0x1e: {  	v32 =	vunpack.c.l.s4.s8 v55;
	v23 =	vcombine.low v24, v23;
	v26 =	vunpack.c.0.s8.s32 v26  }
0x1f: {  	v24 =	vsel vm0, v31, v33;
	v33 =	vunpack.c.l.s4.s8 v56;
	v30 =	vunpack.c.0.s8.s32 v30  }
0x20: {  	s5 =	rddreg [dreg:$0x0];
	v35 =	vunpack.c.l.s4.s8 v61;
	v32 =	vunpack.c.0.s8.s32 v32;
	v24 =	vcombine.low v24, v26  }
0x21: {  	s6 =	rddreg [dreg:$0x1];
	v58 =	vunpack.c.0.s8.s32 v33;
	v26 =	vand.u32 $0xF, v30;
	v30 =	vunpack.c.l.s4.s8 v57  }
0x22: {  	s4 =	rddreg [dreg:$0x2];
	v33 =	vunpack.c.l.s4.s8 v59;
	v25 =	vcombine.low v25, v26;
	v26 =	vand.u32 $0xF, v32  }
0x23: {  	s7 =	rddreg [dreg:$0x3];
	v26 =	vcombine.low v34, v26;
	v30 =	vunpack.c.0.s8.s32 v30;
	v34 =	vunpack.c.l.s4.s8 v60  }
0x24: {  	s0 =	rddreg [dreg:$0x4];
	s1 =	simm.s32 $0x0;
	s2 =	srdreg.scid;
	v16 =	vadd.s32 $0xF, v0;
	v35 =	vunpack.c.0.s8.s32 v35;
	v33 =	vunpack.c.0.s8.s32 v33  }
0x25: {  	s12 =	simm.s32 $0x4400;
	s13 =	simm.s32 $0x1;
	s14 =	simm.s32 $0x2;
	v32 =	vand.u32 $0xF, v58;
	v30 =	vand.u32 $0xF, v30;
	v34 =	vunpack.c.0.s8.s32 v34  }
0x26: {  	s15 =	simm.s32 $0x8400;
	s16 =	simm.s32 $0x0;
	[smem:$0x7FF] =	sst s1;
	v33 =	vand.u32 $0xF, v33;
	v30 =	vsel vm15, v30, v31;
	v31 =	vimm.s32 $0xB0A0908  }
0x27: {  	s8 =	sand.u32 $0x1, s2;
	s3 =	sadd.s32 $0xF42800, s4;
	s4 =	sadd.s32 $0x1313200, s4;
	v33 =	vsel vm15, v33, v27;
	v31 =	vunpack.c.0.s8.s32 v31;
	v27 =	vand.u32 $0xF, v34  }
0x28: {  	s2 =	stileid.u32;
	_ =	strace $0x80000047;
	s9 =	ssub.s32 $0x2, s8;
	v34 =	vsel vm15, v27, v28;
	v27 =	vimm.s32 $0xC0B0A09;
	v28 =	vand.u32 $0xF, v35  }
0x29: {  	s11 =	sshll.u32 s2, $0x7;
	s8 =	sshll.u32 s8, $0x6;
	s10 =	sshrl.u32 s9, $0x1;
	v35 =	vsel vm15, v28, v29;
	v28 =	vimm.s32 $0xD0C0B0A;
	v29 =	vimm.s32 $0xE0D0C0B  }
0x2a: {  	s8 =	sor.u32 s8, s11;
	s11 =	simm.s32 $0x400;
	s9 =	ssub.s32 s9, s10;
	v62 =	vunpack.c.0.s8.s32 v27;
	v63 =	vunpack.c.0.s8.s32 v28;
	v39 =	vunpack.c.0.s8.s32 v29  }
0x2b: {  	s5 =	sadd.s32 s5, s8;
	s6 =	sadd.s32 s6, s8;
	s7 =	sadd.s32 s7, s8;
	v27 =	vcombine.low v36, v32;
	v28 =	vor.u32 $0x10, v0;
	v29 =	vsel vm1, v31, v30  }
0x2c: {  	s10 =	simm.s32 $0x200;
	s8 =	smax.u32 s9, $0x1;
	s9 =	simm.s32 $0x3;
	v30 =	vsel vm1, v62, v33;
	v31 =	vsel vm1, v63, v34;
	v32 =	vsel vm1, v39, v35  }
.LBB2_1:
0x2d: {  	[tilespmem:s1], [sflag:$0x3] =	stream.linear.gather [hbm4b:s5+s1], $0x200, $0x38;
	[tilespmem:$0x8600] =	vst v63  }
0x2e: {  	_ =	swait.ge [sflag:s9], $0x200  }
0x2f: {  	[sflag:s9] =	ssyncset.done $0x0  }
0x30: {  	[sflag:s9] =	ssyncadd.s32 $0xFFFFFE00  }
0x31: {  	[tilespmem:s10], [sflag:$0x3] =	stream.linear.gather [hbm4b:s6+s1], $0x200, $0x38;
	[tilespmem:$0x8600] =	vst v63  }
0x32: {  	_ =	swait.ge [sflag:s9], $0x200  }
0x33: {  	[sflag:s9] =	ssyncset.done $0x0  }
0x34: {  	[sflag:s9] =	ssyncadd.s32 $0xFFFFFE00  }
0x35: {  	[tilespmem:s11], [sflag:$0x1] =	stream.indirect.gather [hbm4b:s3+s10], $0x20, s1, s10, $0xb8;
	[tilespmem:$0x8600] =	vst v63  }
0x36: {  	v33 =	vmov s1  }
0x37: {  	v33 =	vshll.u32 v33, $0x5;
	[tilespmem:s12], [sflag:$0x2] =	stream.indirect.gather [hbm4b:s4+s10], $0x20, s10, s10, $0xb8;
	[tilespmem:$0x8600] =	vst v63  }
0x38: {  	v33 =	vor.u32 v1, v33;
	_ =	swait.ge [sflag:s13], $0x4000  }
0x39: {  	v34 =	vor.u32 v0, v33;
	[sflag:s13] =	ssyncset.done $0x0  }
0x3a: {  	[sflag:s13] =	ssyncadd.s32 $0xFFFFC000  }
0x3b: {  	v35 =	vor.u32 v2, v33;
	_ =	swait.ge [sflag:s14], $0x4000  }
0x3c: {  	[sflag:s14] =	ssyncset.done $0x0  }
0x3d: {  	v36 =	vor.u32 v3, v33;
	[sflag:s14] =	ssyncadd.s32 $0xFFFFC000  }
0x3e: {  	v37 =	vld.idx.msk [tilespmem:v34+s12+$0x0], $0xffff  }
0x3f: {  	v38 =	vor.u32 v4, v33;
	v34 =	vld.idx.msk [tilespmem:v34+s11+$0x0], $0xffff  }
0x40: {  	v39 =	vld.idx.msk [tilespmem:v35+s11+$0x0], $0xffff  }
0x41: {  	v40 =	vor.u32 v5, v33;
	v35 =	vld.idx.msk [tilespmem:v35+s12+$0x0], $0xffff  }
0x42: {  	v41 =	vld.idx.msk [tilespmem:v36+s11+$0x0], $0xffff  }
0x43: {  	v42 =	vor.u32 v6, v33;
	v36 =	vld.idx.msk [tilespmem:v36+s12+$0x0], $0xffff  }
0x44: {  	v43 =	vld.idx.msk [tilespmem:v38+s11+$0x0], $0xffff;
	v34 =	vmul.f32 v37, v34  }
0x45: {  	v53 =	vor.u32 v7, v33;
	v52 =	vld.idx.msk [tilespmem:v38+s12+$0x0], $0xffff  }
0x46: {  	v44 =	vld.idx.msk [tilespmem:v40+s11+$0x0], $0xffff;
	v35 =	vmul.f32 v35, v39;
	v34 =	vadd.f32 $0.0e+00, v34  }
0x47: {  	v55 =	vor.u32 v8, v33;
	v54 =	vld.idx.msk [tilespmem:v40+s12+$0x0], $0xffff  }
0x48: {  	v45 =	vld.idx.msk [tilespmem:v42+s11+$0x0], $0xffff;
	v56 =	vmul.f32 v36, v41;
	v34 =	vadd.f32 v35, v34  }
0x49: {  	v58 =	vor.u32 v9, v33;
	v57 =	vld.idx.msk [tilespmem:v42+s12+$0x0], $0xffff  }
0x4a: {  	v59 =	vld.idx.msk [tilespmem:v53+s11+$0x0], $0xffff;
	v60 =	vmul.f32 v52, v43;
	v34 =	vadd.f32 v56, v34  }
0x4b: {  	v62 =	vor.u32 v10, v33;
	v61 =	vld.idx.msk [tilespmem:v53+s12+$0x0], $0xffff  }
0x4c: {  	v63 =	vld.idx.msk [tilespmem:v55+s11+$0x0], $0xffff;
	v48 =	vmul.f32 v54, v44;
	v34 =	vadd.f32 v60, v34  }
0x4d: {  	v50 =	vor.u32 v11, v33;
	v49 =	vld.idx.msk [tilespmem:v55+s12+$0x0], $0xffff  }
0x4e: {  	v51 =	vld.idx.msk [tilespmem:v58+s11+$0x0], $0xffff;
	v52 =	vmul.f32 v57, v45;
	v34 =	vadd.f32 v48, v34  }
0x4f: {  	v53 =	vld.idx.msk [tilespmem:v58+s12+$0x0], $0xffff;
	v54 =	vor.u32 v12, v33  }
0x50: {  	v55 =	vld.idx.msk [tilespmem:v62+s11+$0x0], $0xffff;
	v56 =	vmul.f32 v61, v59;
	v34 =	vadd.f32 v52, v34  }
0x51: {  	v58 =	vor.u32 v13, v33;
	v57 =	vld.idx.msk [tilespmem:v62+s12+$0x0], $0xffff  }
0x52: {  	v59 =	vld.idx.msk [tilespmem:v50+s11+$0x0], $0xffff;
	v60 =	vmul.f32 v49, v63;
	v34 =	vadd.f32 v56, v34  }
0x53: {  	v62 =	vor.u32 v14, v33;
	v61 =	vld.idx.msk [tilespmem:v50+s12+$0x0], $0xffff  }
0x54: {  	v63 =	vld.idx.msk [tilespmem:v54+s11+$0x0], $0xffff;
	v48 =	vmul.f32 v53, v51;
	v34 =	vadd.f32 v60, v34  }
0x55: {  	v50 =	vor.u32 v15, v33;
	v49 =	vld.idx.msk [tilespmem:v54+s12+$0x0], $0xffff  }
0x56: {  	v51 =	vld.idx.msk [tilespmem:v58+s11+$0x0], $0xffff;
	v52 =	vmul.f32 v57, v55;
	v34 =	vadd.f32 v48, v34  }
0x57: {  	v54 =	vor.u32 v16, v33;
	v53 =	vld.idx.msk [tilespmem:v58+s12+$0x0], $0xffff  }
0x58: {  	v55 =	vld.idx.msk [tilespmem:v62+s11+$0x0], $0xffff;
	v56 =	vmul.f32 v61, v59;
	v34 =	vadd.f32 v52, v34  }
0x59: {  	v58 =	vor.u32 v28, v33;
	v57 =	vld.idx.msk [tilespmem:v62+s12+$0x0], $0xffff  }
0x5a: {  	v59 =	vld.idx.msk [tilespmem:v50+s11+$0x0], $0xffff;
	v60 =	vmul.f32 v49, v63;
	v34 =	vadd.f32 v56, v34  }
0x5b: {  	v62 =	vor.u32 v17, v33;
	v61 =	vld.idx.msk [tilespmem:v50+s12+$0x0], $0xffff  }
0x5c: {  	v63 =	vld.idx.msk [tilespmem:v54+s11+$0x0], $0xffff;
	v48 =	vmul.f32 v53, v51;
	v34 =	vadd.f32 v60, v34  }
0x5d: {  	v50 =	vor.u32 v19, v33;
	v49 =	vld.idx.msk [tilespmem:v54+s12+$0x0], $0xffff  }
0x5e: {  	v51 =	vld.idx.msk [tilespmem:v58+s11+$0x0], $0xffff;
	v52 =	vmul.f32 v57, v55;
	v34 =	vadd.f32 v48, v34  }
0x5f: {  	v54 =	vor.u32 v20, v33;
	v53 =	vld.idx.msk [tilespmem:v58+s12+$0x0], $0xffff  }
0x60: {  	v55 =	vld.idx.msk [tilespmem:v62+s11+$0x0], $0xffff;
	v56 =	vmul.f32 v61, v59;
	v34 =	vadd.f32 v52, v34  }
0x61: {  	v58 =	vor.u32 v18, v33;
	v57 =	vld.idx.msk [tilespmem:v62+s12+$0x0], $0xffff  }
0x62: {  	v59 =	vld.idx.msk [tilespmem:v50+s11+$0x0], $0xffff;
	v60 =	vmul.f32 v49, v63;
	v34 =	vadd.f32 v56, v34  }
0x63: {  	v62 =	vor.u32 v21, v33;
	v61 =	vld.idx.msk [tilespmem:v50+s12+$0x0], $0xffff  }
0x64: {  	v63 =	vld.idx.msk [tilespmem:v54+s11+$0x0], $0xffff;
	v48 =	vmul.f32 v53, v51;
	v34 =	vadd.f32 v60, v34  }
0x65: {  	v50 =	vor.u32 v22, v33;
	v49 =	vld.idx.msk [tilespmem:v54+s12+$0x0], $0xffff  }
0x66: {  	v51 =	vld.idx.msk [tilespmem:v58+s11+$0x0], $0xffff;
	v52 =	vmul.f32 v57, v55;
	v34 =	vadd.f32 v48, v34  }
0x67: {  	v54 =	vor.u32 v23, v33;
	v53 =	vld.idx.msk [tilespmem:v58+s12+$0x0], $0xffff  }
0x68: {  	v55 =	vld.idx.msk [tilespmem:v62+s11+$0x0], $0xffff;
	v56 =	vmul.f32 v61, v59;
	v34 =	vadd.f32 v52, v34  }
0x69: {  	v58 =	vor.u32 v24, v33;
	v57 =	vld.idx.msk [tilespmem:v62+s12+$0x0], $0xffff  }
0x6a: {  	v59 =	vld.idx.msk [tilespmem:v50+s11+$0x0], $0xffff;
	v60 =	vmul.f32 v49, v63;
	v34 =	vadd.f32 v56, v34  }
0x6b: {  	v62 =	vor.u32 v25, v33;
	v61 =	vld.idx.msk [tilespmem:v50+s12+$0x0], $0xffff  }
0x6c: {  	v63 =	vld.idx.msk [tilespmem:v54+s11+$0x0], $0xffff;
	v48 =	vmul.f32 v53, v51;
	v34 =	vadd.f32 v60, v34  }
0x6d: {  	v50 =	vor.u32 v26, v33;
	v49 =	vld.idx.msk [tilespmem:v54+s12+$0x0], $0xffff  }
0x6e: {  	v51 =	vld.idx.msk [tilespmem:v58+s11+$0x0], $0xffff;
	v52 =	vmul.f32 v57, v55;
	v34 =	vadd.f32 v48, v34  }
0x6f: {  	v54 =	vor.u32 v27, v33;
	v53 =	vld.idx.msk [tilespmem:v58+s12+$0x0], $0xffff  }
0x70: {  	v55 =	vld.idx.msk [tilespmem:v62+s11+$0x0], $0xffff;
	v56 =	vmul.f32 v61, v59;
	v34 =	vadd.f32 v52, v34  }
0x71: {  	v58 =	vor.u32 v29, v33;
	v57 =	vld.idx.msk [tilespmem:v62+s12+$0x0], $0xffff  }
0x72: {  	v59 =	vld.idx.msk [tilespmem:v50+s11+$0x0], $0xffff;
	v60 =	vmul.f32 v49, v63;
	v34 =	vadd.f32 v56, v34  }
0x73: {  	v62 =	vor.u32 v30, v33;
	v61 =	vld.idx.msk [tilespmem:v50+s12+$0x0], $0xffff  }
0x74: {  	v63 =	vld.idx.msk [tilespmem:v54+s11+$0x0], $0xffff;
	v48 =	vmul.f32 v53, v51;
	v34 =	vadd.f32 v60, v34  }
0x75: {  	v50 =	vor.u32 v31, v33;
	v49 =	vld.idx.msk [tilespmem:v54+s12+$0x0], $0xffff  }
0x76: {  	v51 =	vld.idx.msk [tilespmem:v58+s11+$0x0], $0xffff;
	v52 =	vmul.f32 v57, v55;
	v34 =	vadd.f32 v48, v34  }
0x77: {  	v33 =	vor.u32 v32, v33;
	v53 =	vld.idx.msk [tilespmem:v58+s12+$0x0], $0xffff  }
0x78: {  	v54 =	vld.idx.msk [tilespmem:v62+s11+$0x0], $0xffff;
	v55 =	vmul.f32 v61, v59;
	v34 =	vadd.f32 v52, v34  }
0x79: {  	v56 =	vld.idx.msk [tilespmem:v62+s12+$0x0], $0xffff  }
0x7a: {  	v57 =	vld.idx.msk [tilespmem:v50+s11+$0x0], $0xffff;
	v58 =	vmul.f32 v49, v63;
	v34 =	vadd.f32 v55, v34  }
0x7b: {  	v59 =	vld.idx.msk [tilespmem:v50+s12+$0x0], $0xffff  }
0x7c: {  	v62 =	vld.idx.msk [tilespmem:v33+s12+$0x0], $0xffff;
	v61 =	vmul.f32 v53, v51;
	v34 =	vadd.f32 v58, v34  }
0x7d: {  	v60 =	vld.idx.msk [tilespmem:v33+s11+$0x0], $0xffff  }
0x7e: {  	s17 =	simm.s32 $0x10;
	v42 =	vmul.f32 v56, v54;
	v63 =	vadd.f32 v61, v34  }
0x7f: {  	v43 =	vmov s17  }
0x80: {  	v35 =	vshll.u32 v43, $0x5;
	v44 =	vmul.f32 v59, v57;
	v34 =	vadd.f32 v42, v63  }
0x81: {  	v33 =	vor.u32 v1, v35  }
0x82: {  	v35 =	vor.u32 v0, v33;
	v45 =	vmul.f32 v62, v60;
	v34 =	vadd.f32 v44, v34;
	_ =	sdelay $0x1  }
0x83: {  	v46 =	vor.u32 v2, v33;
	v34 =	vadd.f32 v45, v34;
	_ =	sdelay $0x1  }
0x84: {  	v47 =	vor.u32 v3, v33;
	[tilespmem:s15+$0x0] =	vst v34  }
0x85: {  	v34 =	vld.idx.msk [tilespmem:v35+s12+$0x0], $0xffff  }
0x86: {  	v48 =	vor.u32 v4, v33;
	v35 =	vld.idx.msk [tilespmem:v35+s11+$0x0], $0xffff  }
0x87: {  	v49 =	vld.idx.msk [tilespmem:v46+s11+$0x0], $0xffff  }
0x88: {  	v50 =	vor.u32 v5, v33;
	v37 =	vld.idx.msk [tilespmem:v46+s12+$0x0], $0xffff  }
0x89: {  	v51 =	vld.idx.msk [tilespmem:v47+s11+$0x0], $0xffff  }
0x8a: {  	v52 =	vor.u32 v6, v33;
	v36 =	vld.idx.msk [tilespmem:v47+s12+$0x0], $0xffff  }
0x8b: {  	v53 =	vld.idx.msk [tilespmem:v48+s11+$0x0], $0xffff;
	v34 =	vmul.f32 v34, v35  }
0x8c: {  	v55 =	vor.u32 v7, v33;
	v54 =	vld.idx.msk [tilespmem:v48+s12+$0x0], $0xffff  }
0x8d: {  	v56 =	vld.idx.msk [tilespmem:v50+s11+$0x0], $0xffff;
	v37 =	vmul.f32 v37, v49;
	v34 =	vadd.f32 $0.0e+00, v34  }
0x8e: {  	v58 =	vor.u32 v8, v33;
	v57 =	vld.idx.msk [tilespmem:v50+s12+$0x0], $0xffff  }
0x8f: {  	v59 =	vld.idx.msk [tilespmem:v52+s11+$0x0], $0xffff;
	v36 =	vmul.f32 v36, v51;
	v34 =	vadd.f32 v37, v34  }
0x90: {  	v61 =	vor.u32 v9, v33;
	v60 =	vld.idx.msk [tilespmem:v52+s12+$0x0], $0xffff  }
0x91: {  	v62 =	vld.idx.msk [tilespmem:v55+s11+$0x0], $0xffff;
	v35 =	vmul.f32 v54, v53;
	v34 =	vadd.f32 v36, v34  }
0x92: {  	v63 =	vld.idx.msk [tilespmem:v55+s12+$0x0], $0xffff;
	v48 =	vor.u32 v10, v33  }
0x93: {  	v49 =	vld.idx.msk [tilespmem:v58+s11+$0x0], $0xffff;
	v50 =	vmul.f32 v57, v56;
	v34 =	vadd.f32 v35, v34  }
0x94: {  	v52 =	vor.u32 v11, v33;
	v51 =	vld.idx.msk [tilespmem:v58+s12+$0x0], $0xffff  }
0x95: {  	v55 =	vld.idx.msk [tilespmem:v61+s12+$0x0], $0xffff;
	v54 =	vmul.f32 v60, v59;
	v34 =	vadd.f32 v50, v34  }
0x96: {  	v53 =	vld.idx.msk [tilespmem:v61+s11+$0x0], $0xffff;
	v56 =	vor.u32 v12, v33  }
0x97: {  	v57 =	vld.idx.msk [tilespmem:v48+s11+$0x0], $0xffff;
	v58 =	vmul.f32 v63, v62;
	v34 =	vadd.f32 v54, v34  }
0x98: {  	v59 =	vld.idx.msk [tilespmem:v48+s12+$0x0], $0xffff;
	v60 =	vor.u32 v13, v33  }
0x99: {  	v61 =	vld.idx.msk [tilespmem:v52+s11+$0x0], $0xffff;
	v62 =	vmul.f32 v51, v49;
	v34 =	vadd.f32 v58, v34  }
0x9a: {  	v63 =	vld.idx.msk [tilespmem:v52+s12+$0x0], $0xffff;
	v48 =	vor.u32 v14, v33  }
0x9b: {  	v49 =	vld.idx.msk [tilespmem:v56+s11+$0x0], $0xffff;
	v50 =	vmul.f32 v55, v53;
	v34 =	vadd.f32 v62, v34  }
0x9c: {  	v52 =	vor.u32 v15, v33;
	v51 =	vld.idx.msk [tilespmem:v56+s12+$0x0], $0xffff  }
0x9d: {  	v53 =	vld.idx.msk [tilespmem:v60+s11+$0x0], $0xffff;
	v54 =	vmul.f32 v59, v57;
	v34 =	vadd.f32 v50, v34  }
0x9e: {  	v56 =	vor.u32 v16, v33;
	v55 =	vld.idx.msk [tilespmem:v60+s12+$0x0], $0xffff  }
0x9f: {  	v57 =	vld.idx.msk [tilespmem:v48+s11+$0x0], $0xffff;
	v58 =	vmul.f32 v63, v61;
	v34 =	vadd.f32 v54, v34  }
0xa0: {  	v60 =	vor.u32 v28, v33;
	v59 =	vld.idx.msk [tilespmem:v48+s12+$0x0], $0xffff  }
0xa1: {  	v61 =	vld.idx.msk [tilespmem:v52+s11+$0x0], $0xffff;
	v62 =	vmul.f32 v51, v49;
	v34 =	vadd.f32 v58, v34  }
0xa2: {  	v48 =	vor.u32 v17, v33;
	v63 =	vld.idx.msk [tilespmem:v52+s12+$0x0], $0xffff  }
0xa3: {  	v49 =	vld.idx.msk [tilespmem:v56+s11+$0x0], $0xffff;
	v50 =	vmul.f32 v55, v53;
	v34 =	vadd.f32 v62, v34  }
0xa4: {  	v52 =	vor.u32 v19, v33;
	v51 =	vld.idx.msk [tilespmem:v56+s12+$0x0], $0xffff  }
0xa5: {  	v53 =	vld.idx.msk [tilespmem:v60+s11+$0x0], $0xffff;
	v54 =	vmul.f32 v59, v57;
	v34 =	vadd.f32 v50, v34  }
0xa6: {  	v56 =	vor.u32 v20, v33;
	v55 =	vld.idx.msk [tilespmem:v60+s12+$0x0], $0xffff  }
0xa7: {  	v57 =	vld.idx.msk [tilespmem:v48+s11+$0x0], $0xffff;
	v58 =	vmul.f32 v63, v61;
	v34 =	vadd.f32 v54, v34  }
0xa8: {  	v60 =	vor.u32 v18, v33;
	v59 =	vld.idx.msk [tilespmem:v48+s12+$0x0], $0xffff  }
0xa9: {  	v61 =	vld.idx.msk [tilespmem:v52+s11+$0x0], $0xffff;
	v62 =	vmul.f32 v51, v49;
	v34 =	vadd.f32 v58, v34  }
0xaa: {  	v48 =	vor.u32 v21, v33;
	v63 =	vld.idx.msk [tilespmem:v52+s12+$0x0], $0xffff  }
0xab: {  	v49 =	vld.idx.msk [tilespmem:v56+s11+$0x0], $0xffff;
	v50 =	vmul.f32 v55, v53;
	v34 =	vadd.f32 v62, v34  }
0xac: {  	v52 =	vor.u32 v22, v33;
	v51 =	vld.idx.msk [tilespmem:v56+s12+$0x0], $0xffff  }
0xad: {  	v53 =	vld.idx.msk [tilespmem:v60+s11+$0x0], $0xffff;
	v54 =	vmul.f32 v59, v57;
	v34 =	vadd.f32 v50, v34  }
0xae: {  	v56 =	vor.u32 v23, v33;
	v55 =	vld.idx.msk [tilespmem:v60+s12+$0x0], $0xffff  }
0xaf: {  	v57 =	vld.idx.msk [tilespmem:v48+s11+$0x0], $0xffff;
	v58 =	vmul.f32 v63, v61;
	v34 =	vadd.f32 v54, v34  }
0xb0: {  	v60 =	vor.u32 v24, v33;
	v59 =	vld.idx.msk [tilespmem:v48+s12+$0x0], $0xffff  }
0xb1: {  	v61 =	vld.idx.msk [tilespmem:v52+s11+$0x0], $0xffff;
	v62 =	vmul.f32 v51, v49;
	v34 =	vadd.f32 v58, v34  }
0xb2: {  	v48 =	vor.u32 v25, v33;
	v63 =	vld.idx.msk [tilespmem:v52+s12+$0x0], $0xffff  }
0xb3: {  	v49 =	vld.idx.msk [tilespmem:v56+s11+$0x0], $0xffff;
	v50 =	vmul.f32 v55, v53;
	v34 =	vadd.f32 v62, v34  }
0xb4: {  	v52 =	vor.u32 v26, v33;
	v51 =	vld.idx.msk [tilespmem:v56+s12+$0x0], $0xffff  }
0xb5: {  	v53 =	vld.idx.msk [tilespmem:v60+s11+$0x0], $0xffff;
	v54 =	vmul.f32 v59, v57;
	v34 =	vadd.f32 v50, v34  }
0xb6: {  	v56 =	vor.u32 v27, v33;
	v55 =	vld.idx.msk [tilespmem:v60+s12+$0x0], $0xffff  }
0xb7: {  	v57 =	vld.idx.msk [tilespmem:v48+s11+$0x0], $0xffff;
	v58 =	vmul.f32 v63, v61;
	v34 =	vadd.f32 v54, v34  }
0xb8: {  	v60 =	vor.u32 v29, v33;
	v59 =	vld.idx.msk [tilespmem:v48+s12+$0x0], $0xffff  }
0xb9: {  	v61 =	vld.idx.msk [tilespmem:v52+s11+$0x0], $0xffff;
	v62 =	vmul.f32 v51, v49;
	v34 =	vadd.f32 v58, v34  }
0xba: {  	v63 =	vld.idx.msk [tilespmem:v52+s12+$0x0], $0xffff  }
0xbb: {  	v48 =	vor.u32 v30, v33;
	v49 =	vld.idx.msk [tilespmem:v56+s11+$0x0], $0xffff;
	v50 =	vmul.f32 v55, v53;
	v34 =	vadd.f32 v62, v34  }
0xbc: {  	v51 =	vld.idx.msk [tilespmem:v56+s12+$0x0], $0xffff  }
0xbd: {  	v52 =	vor.u32 v31, v33;
	v53 =	vld.idx.msk [tilespmem:v60+s11+$0x0], $0xffff;
	v54 =	vmul.f32 v59, v57;
	v34 =	vadd.f32 v50, v34  }
0xbe: {  	v55 =	vld.idx.msk [tilespmem:v60+s12+$0x0], $0xffff  }
0xbf: {  	v33 =	vor.u32 v32, v33;
	v57 =	vmul.f32 v63, v61;
	v34 =	vadd.f32 v54, v34  }
0xc0: {  	v56 =	vld.idx.msk [tilespmem:v48+s11+$0x0], $0xffff  }
0xc1: {  	v60 =	vmul.f32 v51, v49;
	v58 =	vld.idx.msk [tilespmem:v48+s12+$0x0], $0xffff;
	v34 =	vadd.f32 v57, v34  }
0xc2: {  	v38 =	vld.idx.msk [tilespmem:v52+s12+$0x0], $0xffff  }
0xc3: {  	v59 =	vld.idx.msk [tilespmem:v52+s11+$0x0], $0xffff;
	v61 =	vmul.f32 v55, v53;
	v34 =	vadd.f32 v60, v34  }
0xc4: {  	v35 =	vld.idx.msk [tilespmem:v33+s12+$0x0], $0xffff  }
0xc5: {  	v62 =	vadd.f32 v61, v34;
	v34 =	vld.idx.msk [tilespmem:v33+s11+$0x0], $0xffff  }
0xc6: {  	s31 =	simm.s32 $0x20;
	v37 =	vmul.f32 v58, v56  }
0xc7: {  	v63 =	vmov s31  }
0xc8: {  	s18 =	simm.s32 $0x30;
	s17 =	simm.s32 $0x8400;
	v33 =	vshll.u32 v63, $0x5;
	v36 =	vadd.f32 v37, v62;
	v37 =	vmul.f32 v38, v59  }
.LBB2_2:
0xc9: {  	p0 =	sne.s32 s18, $0x1F0;
	v33 =	vor.u32 v1, v33  }
0xca: {  	v34 =	vmul.f32 v35, v34;
	v38 =	vor.u32 v0, v33;
	v36 =	vadd.f32 v37, v36;
	_ =	sdelay $0x1  }
0xcb: {  	v35 =	vor.u32 v2, v33;
	v34 =	vadd.f32 v34, v36  }
0xcc: {  	s17 =	sadd.s32 $0x10, s17  }
0xcd: {  	v36 =	vor.u32 v3, v33;
	[tilespmem:s17+$0x0] =	vst v34  }
0xce: {  	v34 =	vld.idx.msk [tilespmem:v38+s12+$0x0], $0xffff  }
0xcf: {  	v37 =	vld.idx.msk [tilespmem:v38+s11+$0x0], $0xffff;
	v38 =	vor.u32 v4, v33  }
0xd0: {  	v39 =	vld.idx.msk [tilespmem:v35+s11+$0x0], $0xffff  }
0xd1: {  	v40 =	vor.u32 v5, v33;
	v35 =	vld.idx.msk [tilespmem:v35+s12+$0x0], $0xffff  }
0xd2: {  	v41 =	vld.idx.msk [tilespmem:v36+s11+$0x0], $0xffff  }
0xd3: {  	v42 =	vor.u32 v6, v33;
	v36 =	vld.idx.msk [tilespmem:v36+s12+$0x0], $0xffff  }
0xd4: {  	v43 =	vld.idx.msk [tilespmem:v38+s11+$0x0], $0xffff  }
0xd5: {  	v34 =	vmul.f32 v34, v37;
	v37 =	vld.idx.msk [tilespmem:v38+s12+$0x0], $0xffff;
	v38 =	vor.u32 v7, v33  }
0xd6: {  	v44 =	vld.idx.msk [tilespmem:v40+s11+$0x0], $0xffff  }
0xd7: {  	v34 =	vadd.f32 $0.0e+00, v34;
	v35 =	vmul.f32 v35, v39;
	v39 =	vld.idx.msk [tilespmem:v40+s12+$0x0], $0xffff;
	v40 =	vor.u32 v8, v33  }
0xd8: {  	v45 =	vld.idx.msk [tilespmem:v42+s11+$0x0], $0xffff  }
0xd9: {  	v34 =	vadd.f32 v35, v34;
	v35 =	vmul.f32 v36, v41;
	v41 =	vor.u32 v9, v33;
	v36 =	vld.idx.msk [tilespmem:v42+s12+$0x0], $0xffff  }
0xda: {  	v42 =	vld.idx.msk [tilespmem:v38+s11+$0x0], $0xffff  }
0xdb: {  	v34 =	vadd.f32 v35, v34;
	v35 =	vmul.f32 v37, v43;
	v37 =	vld.idx.msk [tilespmem:v38+s12+$0x0], $0xffff;
	v38 =	vor.u32 v10, v33  }
0xdc: {  	v43 =	vld.idx.msk [tilespmem:v40+s11+$0x0], $0xffff  }
0xdd: {  	v34 =	vadd.f32 v35, v34;
	v35 =	vmul.f32 v39, v44;
	v39 =	vld.idx.msk [tilespmem:v40+s12+$0x0], $0xffff;
	v40 =	vor.u32 v11, v33  }
0xde: {  	v44 =	vld.idx.msk [tilespmem:v41+s11+$0x0], $0xffff  }
0xdf: {  	v34 =	vadd.f32 v35, v34;
	v35 =	vmul.f32 v36, v45;
	v36 =	vld.idx.msk [tilespmem:v41+s12+$0x0], $0xffff;
	v41 =	vor.u32 v12, v33  }
0xe0: {  	v45 =	vld.idx.msk [tilespmem:v38+s11+$0x0], $0xffff  }
0xe1: {  	v34 =	vadd.f32 v35, v34;
	v35 =	vmul.f32 v37, v42;
	v37 =	vld.idx.msk [tilespmem:v38+s12+$0x0], $0xffff;
	v38 =	vor.u32 v13, v33  }
0xe2: {  	v42 =	vld.idx.msk [tilespmem:v40+s11+$0x0], $0xffff  }
0xe3: {  	v34 =	vadd.f32 v35, v34;
	v35 =	vmul.f32 v39, v43;
	v39 =	vld.idx.msk [tilespmem:v40+s12+$0x0], $0xffff;
	v40 =	vor.u32 v14, v33  }
0xe4: {  	v43 =	vld.idx.msk [tilespmem:v41+s11+$0x0], $0xffff  }
0xe5: {  	v34 =	vadd.f32 v35, v34;
	v35 =	vmul.f32 v36, v44;
	v36 =	vld.idx.msk [tilespmem:v41+s12+$0x0], $0xffff;
	v41 =	vor.u32 v15, v33  }
0xe6: {  	v44 =	vld.idx.msk [tilespmem:v38+s11+$0x0], $0xffff  }
0xe7: {  	v34 =	vadd.f32 v35, v34;
	v35 =	vmul.f32 v37, v45;
	v37 =	vld.idx.msk [tilespmem:v38+s12+$0x0], $0xffff;
	v38 =	vor.u32 v16, v33  }
0xe8: {  	v45 =	vld.idx.msk [tilespmem:v40+s11+$0x0], $0xffff  }
0xe9: {  	v34 =	vadd.f32 v35, v34;
	v35 =	vmul.f32 v39, v42;
	v39 =	vld.idx.msk [tilespmem:v40+s12+$0x0], $0xffff;
	v40 =	vor.u32 v28, v33  }
0xea: {  	v42 =	vld.idx.msk [tilespmem:v41+s11+$0x0], $0xffff  }
0xeb: {  	v34 =	vadd.f32 v35, v34;
	v35 =	vmul.f32 v36, v43;
	v36 =	vld.idx.msk [tilespmem:v41+s12+$0x0], $0xffff;
	v41 =	vor.u32 v17, v33  }
0xec: {  	v43 =	vld.idx.msk [tilespmem:v38+s11+$0x0], $0xffff  }
0xed: {  	v34 =	vadd.f32 v35, v34;
	v35 =	vmul.f32 v37, v44;
	v37 =	vld.idx.msk [tilespmem:v38+s12+$0x0], $0xffff;
	v38 =	vor.u32 v19, v33  }
0xee: {  	v44 =	vld.idx.msk [tilespmem:v40+s11+$0x0], $0xffff  }
0xef: {  	v34 =	vadd.f32 v35, v34;
	v35 =	vmul.f32 v39, v45;
	v39 =	vld.idx.msk [tilespmem:v40+s12+$0x0], $0xffff;
	v40 =	vor.u32 v20, v33  }
0xf0: {  	v45 =	vld.idx.msk [tilespmem:v41+s11+$0x0], $0xffff  }
0xf1: {  	v34 =	vadd.f32 v35, v34;
	v35 =	vmul.f32 v36, v42;
	v36 =	vld.idx.msk [tilespmem:v41+s12+$0x0], $0xffff;
	v41 =	vor.u32 v18, v33  }
0xf2: {  	v42 =	vld.idx.msk [tilespmem:v38+s11+$0x0], $0xffff  }
0xf3: {  	v34 =	vadd.f32 v35, v34;
	v35 =	vmul.f32 v37, v43;
	v37 =	vld.idx.msk [tilespmem:v38+s12+$0x0], $0xffff;
	v38 =	vor.u32 v21, v33  }
0xf4: {  	v43 =	vld.idx.msk [tilespmem:v40+s11+$0x0], $0xffff  }
0xf5: {  	v34 =	vadd.f32 v35, v34;
	v35 =	vmul.f32 v39, v44;
	v39 =	vld.idx.msk [tilespmem:v40+s12+$0x0], $0xffff;
	v40 =	vor.u32 v22, v33  }
0xf6: {  	v44 =	vld.idx.msk [tilespmem:v41+s11+$0x0], $0xffff  }
0xf7: {  	v34 =	vadd.f32 v35, v34;
	v35 =	vmul.f32 v36, v45;
	v36 =	vld.idx.msk [tilespmem:v41+s12+$0x0], $0xffff;
	v41 =	vor.u32 v23, v33  }
0xf8: {  	v45 =	vld.idx.msk [tilespmem:v38+s11+$0x0], $0xffff  }
0xf9: {  	v34 =	vadd.f32 v35, v34;
	v35 =	vmul.f32 v37, v42;
	v37 =	vld.idx.msk [tilespmem:v38+s12+$0x0], $0xffff;
	v38 =	vor.u32 v24, v33  }
0xfa: {  	v42 =	vld.idx.msk [tilespmem:v40+s11+$0x0], $0xffff  }
0xfb: {  	v34 =	vadd.f32 v35, v34;
	v35 =	vmul.f32 v39, v43;
	v39 =	vld.idx.msk [tilespmem:v40+s12+$0x0], $0xffff;
	v40 =	vor.u32 v25, v33  }
0xfc: {  	v43 =	vld.idx.msk [tilespmem:v41+s11+$0x0], $0xffff  }
0xfd: {  	v34 =	vadd.f32 v35, v34;
	v35 =	vmul.f32 v36, v44;
	v36 =	vld.idx.msk [tilespmem:v41+s12+$0x0], $0xffff;
	v41 =	vor.u32 v26, v33  }
0xfe: {  	v44 =	vld.idx.msk [tilespmem:v38+s11+$0x0], $0xffff  }
0xff: {  	v34 =	vadd.f32 v35, v34;
	v35 =	vmul.f32 v37, v45;
	v37 =	vld.idx.msk [tilespmem:v38+s12+$0x0], $0xffff;
	v38 =	vor.u32 v27, v33  }
0x100: {  	v45 =	vld.idx.msk [tilespmem:v40+s11+$0x0], $0xffff  }
0x101: {  	v34 =	vadd.f32 v35, v34;
	v35 =	vmul.f32 v39, v42;
	v39 =	vld.idx.msk [tilespmem:v40+s12+$0x0], $0xffff;
	v40 =	vor.u32 v29, v33  }
0x102: {  	v42 =	vld.idx.msk [tilespmem:v41+s11+$0x0], $0xffff  }
0x103: {  	v34 =	vadd.f32 v35, v34;
	v35 =	vmul.f32 v36, v43;
	v36 =	vld.idx.msk [tilespmem:v41+s12+$0x0], $0xffff;
	v41 =	vor.u32 v30, v33  }
0x104: {  	v43 =	vld.idx.msk [tilespmem:v38+s11+$0x0], $0xffff  }
0x105: {  	v34 =	vadd.f32 v35, v34;
	v35 =	vmul.f32 v37, v44;
	v37 =	vld.idx.msk [tilespmem:v38+s12+$0x0], $0xffff;
	v38 =	vor.u32 v31, v33  }
0x106: {  	v44 =	vld.idx.msk [tilespmem:v40+s11+$0x0], $0xffff  }
0x107: {  	v33 =	vor.u32 v32, v33;
	v34 =	vadd.f32 v35, v34;
	v35 =	vmul.f32 v39, v45;
	v39 =	vld.idx.msk [tilespmem:v40+s12+$0x0], $0xffff  }
0x108: {  	v40 =	vld.idx.msk [tilespmem:v41+s11+$0x0], $0xffff  }
0x109: {  	v34 =	vadd.f32 v35, v34;
	v35 =	vmul.f32 v36, v42;
	v36 =	vld.idx.msk [tilespmem:v41+s12+$0x0], $0xffff  }
0x10a: {  	v41 =	vld.idx.msk [tilespmem:v38+s11+$0x0], $0xffff  }
0x10b: {  	v35 =	vadd.f32 v35, v34;
	v37 =	vmul.f32 v37, v43;
	v38 =	vld.idx.msk [tilespmem:v38+s12+$0x0], $0xffff  }
0x10c: {  	v34 =	vld.idx.msk [tilespmem:v33+s11+$0x0], $0xffff  }
.Ltmp0:
0x10d: {  	v37 =	vadd.f32 v37, v35;
	v39 =	vmul.f32 v39, v44;
	v35 =	vld.idx.msk [tilespmem:v33+s12+$0x0], $0xffff;
	(pc) =	sbr.rel @p0 .LBB2_2-.Ltmp0, $4  }
0x10e: {  	_ = 	snop  }
0x10f: {  	v37 =	vadd.f32 v39, v37;
	v36 =	vmul.f32 v36, v40  }
0x110: {  	v33 =	vmov s18  }
0x111: {  	s18 =	sadd.s32 $0x10, s18;
	v33 =	vshll.u32 v33, $0x5;
	v36 =	vadd.f32 v36, v37;
	v37 =	vmul.f32 v38, v41  }
0x112: {  	v33 =	vor.u32 v1, v33  }
0x113: {  	v34 =	vmul.f32 v35, v34;
	v38 =	vor.u32 v0, v33;
	v36 =	vadd.f32 v37, v36;
	_ =	sdelay $0x1  }
0x114: {  	v48 =	vor.u32 v2, v33;
	v34 =	vadd.f32 v34, v36  }
0x115: {  	s17 =	sadd.s32 $0x10, s17  }
0x116: {  	v49 =	vor.u32 v3, v33;
	[tilespmem:s17+$0x0] =	vst v34  }
0x117: {  	v34 =	vld.idx.msk [tilespmem:v38+s12+$0x0], $0xffff  }
0x118: {  	v51 =	vor.u32 v4, v33;
	v50 =	vld.idx.msk [tilespmem:v38+s11+$0x0], $0xffff  }
0x119: {  	v39 =	vld.idx.msk [tilespmem:v48+s11+$0x0], $0xffff  }
0x11a: {  	v40 =	vor.u32 v5, v33;
	v35 =	vld.idx.msk [tilespmem:v48+s12+$0x0], $0xffff  }
0x11b: {  	v41 =	vld.idx.msk [tilespmem:v49+s11+$0x0], $0xffff  }
0x11c: {  	v42 =	vor.u32 v6, v33;
	v36 =	vld.idx.msk [tilespmem:v49+s12+$0x0], $0xffff  }
0x11d: {  	v43 =	vld.idx.msk [tilespmem:v51+s11+$0x0], $0xffff;
	v34 =	vmul.f32 v34, v50  }
0x11e: {  	v53 =	vor.u32 v7, v33;
	v52 =	vld.idx.msk [tilespmem:v51+s12+$0x0], $0xffff  }
0x11f: {  	v44 =	vld.idx.msk [tilespmem:v40+s11+$0x0], $0xffff;
	v35 =	vmul.f32 v35, v39;
	v34 =	vadd.f32 $0.0e+00, v34  }
0x120: {  	v55 =	vor.u32 v8, v33;
	v54 =	vld.idx.msk [tilespmem:v40+s12+$0x0], $0xffff  }
0x121: {  	v45 =	vld.idx.msk [tilespmem:v42+s11+$0x0], $0xffff;
	v56 =	vmul.f32 v36, v41;
	v34 =	vadd.f32 v35, v34  }
0x122: {  	v58 =	vor.u32 v9, v33;
	v57 =	vld.idx.msk [tilespmem:v42+s12+$0x0], $0xffff  }
0x123: {  	v59 =	vld.idx.msk [tilespmem:v53+s11+$0x0], $0xffff;
	v60 =	vmul.f32 v52, v43;
	v34 =	vadd.f32 v56, v34  }
0x124: {  	v62 =	vor.u32 v10, v33;
	v61 =	vld.idx.msk [tilespmem:v53+s12+$0x0], $0xffff  }
0x125: {  	v63 =	vld.idx.msk [tilespmem:v55+s11+$0x0], $0xffff;
	v48 =	vmul.f32 v54, v44;
	v34 =	vadd.f32 v60, v34  }
0x126: {  	v49 =	vld.idx.msk [tilespmem:v55+s12+$0x0], $0xffff;
	v50 =	vor.u32 v11, v33  }
0x127: {  	v51 =	vld.idx.msk [tilespmem:v58+s11+$0x0], $0xffff;
	v52 =	vmul.f32 v57, v45;
	v34 =	vadd.f32 v48, v34  }
0x128: {  	v53 =	vld.idx.msk [tilespmem:v58+s12+$0x0], $0xffff;
	v54 =	vor.u32 v12, v33  }
0x129: {  	v55 =	vld.idx.msk [tilespmem:v62+s11+$0x0], $0xffff;
	v56 =	vmul.f32 v61, v59;
	v34 =	vadd.f32 v52, v34  }
0x12a: {  	v58 =	vor.u32 v13, v33;
	v57 =	vld.idx.msk [tilespmem:v62+s12+$0x0], $0xffff  }
0x12b: {  	v59 =	vld.idx.msk [tilespmem:v50+s11+$0x0], $0xffff;
	v60 =	vmul.f32 v49, v63;
	v34 =	vadd.f32 v56, v34  }
0x12c: {  	v62 =	vor.u32 v14, v33;
	v61 =	vld.idx.msk [tilespmem:v50+s12+$0x0], $0xffff  }
0x12d: {  	v63 =	vld.idx.msk [tilespmem:v54+s11+$0x0], $0xffff;
	v48 =	vmul.f32 v53, v51;
	v34 =	vadd.f32 v60, v34  }
0x12e: {  	v50 =	vor.u32 v15, v33;
	v49 =	vld.idx.msk [tilespmem:v54+s12+$0x0], $0xffff  }
0x12f: {  	v51 =	vld.idx.msk [tilespmem:v58+s11+$0x0], $0xffff;
	v52 =	vmul.f32 v57, v55;
	v34 =	vadd.f32 v48, v34  }
0x130: {  	v54 =	vor.u32 v16, v33;
	v53 =	vld.idx.msk [tilespmem:v58+s12+$0x0], $0xffff  }
0x131: {  	v55 =	vld.idx.msk [tilespmem:v62+s11+$0x0], $0xffff;
	v56 =	vmul.f32 v61, v59;
	v34 =	vadd.f32 v52, v34  }
0x132: {  	v58 =	vor.u32 v28, v33;
	v57 =	vld.idx.msk [tilespmem:v62+s12+$0x0], $0xffff  }
0x133: {  	v59 =	vld.idx.msk [tilespmem:v50+s11+$0x0], $0xffff;
	v60 =	vmul.f32 v49, v63;
	v34 =	vadd.f32 v56, v34  }
0x134: {  	v62 =	vor.u32 v17, v33;
	v61 =	vld.idx.msk [tilespmem:v50+s12+$0x0], $0xffff  }
0x135: {  	v63 =	vld.idx.msk [tilespmem:v54+s11+$0x0], $0xffff;
	v48 =	vmul.f32 v53, v51;
	v34 =	vadd.f32 v60, v34  }
0x136: {  	v50 =	vor.u32 v19, v33;
	v49 =	vld.idx.msk [tilespmem:v54+s12+$0x0], $0xffff  }
0x137: {  	v51 =	vld.idx.msk [tilespmem:v58+s11+$0x0], $0xffff;
	v52 =	vmul.f32 v57, v55;
	v34 =	vadd.f32 v48, v34  }
0x138: {  	v54 =	vor.u32 v20, v33;
	v53 =	vld.idx.msk [tilespmem:v58+s12+$0x0], $0xffff  }
0x139: {  	v55 =	vld.idx.msk [tilespmem:v62+s11+$0x0], $0xffff;
	v56 =	vmul.f32 v61, v59;
	v34 =	vadd.f32 v52, v34  }
0x13a: {  	v58 =	vor.u32 v18, v33;
	v57 =	vld.idx.msk [tilespmem:v62+s12+$0x0], $0xffff  }
0x13b: {  	v59 =	vld.idx.msk [tilespmem:v50+s11+$0x0], $0xffff;
	v60 =	vmul.f32 v49, v63;
	v34 =	vadd.f32 v56, v34  }
0x13c: {  	v62 =	vor.u32 v21, v33;
	v61 =	vld.idx.msk [tilespmem:v50+s12+$0x0], $0xffff  }
0x13d: {  	v63 =	vld.idx.msk [tilespmem:v54+s11+$0x0], $0xffff;
	v48 =	vmul.f32 v53, v51;
	v34 =	vadd.f32 v60, v34  }
0x13e: {  	v50 =	vor.u32 v22, v33;
	v49 =	vld.idx.msk [tilespmem:v54+s12+$0x0], $0xffff  }
0x13f: {  	v51 =	vld.idx.msk [tilespmem:v58+s11+$0x0], $0xffff;
	v52 =	vmul.f32 v57, v55;
	v34 =	vadd.f32 v48, v34  }
0x140: {  	v54 =	vor.u32 v23, v33;
	v53 =	vld.idx.msk [tilespmem:v58+s12+$0x0], $0xffff  }
0x141: {  	v55 =	vld.idx.msk [tilespmem:v62+s11+$0x0], $0xffff;
	v56 =	vmul.f32 v61, v59;
	v34 =	vadd.f32 v52, v34  }
0x142: {  	v58 =	vor.u32 v24, v33;
	v57 =	vld.idx.msk [tilespmem:v62+s12+$0x0], $0xffff  }
0x143: {  	v59 =	vld.idx.msk [tilespmem:v50+s11+$0x0], $0xffff;
	v60 =	vmul.f32 v49, v63;
	v34 =	vadd.f32 v56, v34  }
0x144: {  	v62 =	vor.u32 v25, v33;
	v61 =	vld.idx.msk [tilespmem:v50+s12+$0x0], $0xffff  }
0x145: {  	v63 =	vld.idx.msk [tilespmem:v54+s11+$0x0], $0xffff;
	v48 =	vmul.f32 v53, v51;
	v34 =	vadd.f32 v60, v34  }
0x146: {  	v50 =	vor.u32 v26, v33;
	v49 =	vld.idx.msk [tilespmem:v54+s12+$0x0], $0xffff  }
0x147: {  	v51 =	vld.idx.msk [tilespmem:v58+s11+$0x0], $0xffff;
	v52 =	vmul.f32 v57, v55;
	v34 =	vadd.f32 v48, v34  }
0x148: {  	v54 =	vor.u32 v27, v33;
	v53 =	vld.idx.msk [tilespmem:v58+s12+$0x0], $0xffff  }
0x149: {  	v55 =	vld.idx.msk [tilespmem:v62+s11+$0x0], $0xffff;
	v56 =	vmul.f32 v61, v59;
	v34 =	vadd.f32 v52, v34  }
0x14a: {  	v58 =	vor.u32 v29, v33;
	v57 =	vld.idx.msk [tilespmem:v62+s12+$0x0], $0xffff  }
0x14b: {  	v59 =	vld.idx.msk [tilespmem:v50+s11+$0x0], $0xffff;
	v60 =	vmul.f32 v49, v63;
	v34 =	vadd.f32 v56, v34  }
0x14c: {  	v62 =	vor.u32 v30, v33;
	v61 =	vld.idx.msk [tilespmem:v50+s12+$0x0], $0xffff  }
0x14d: {  	v63 =	vld.idx.msk [tilespmem:v54+s11+$0x0], $0xffff;
	v48 =	vmul.f32 v53, v51;
	v34 =	vadd.f32 v60, v34  }
0x14e: {  	v50 =	vor.u32 v31, v33;
	v49 =	vld.idx.msk [tilespmem:v54+s12+$0x0], $0xffff  }
0x14f: {  	v51 =	vld.idx.msk [tilespmem:v58+s11+$0x0], $0xffff;
	v52 =	vmul.f32 v57, v55;
	v34 =	vadd.f32 v48, v34  }
0x150: {  	v33 =	vor.u32 v32, v33;
	v53 =	vld.idx.msk [tilespmem:v58+s12+$0x0], $0xffff  }
0x151: {  	v54 =	vld.idx.msk [tilespmem:v62+s11+$0x0], $0xffff;
	v55 =	vmul.f32 v61, v59;
	v34 =	vadd.f32 v52, v34  }
0x152: {  	v56 =	vld.idx.msk [tilespmem:v62+s12+$0x0], $0xffff  }
0x153: {  	v57 =	vld.idx.msk [tilespmem:v50+s11+$0x0], $0xffff;
	v58 =	vmul.f32 v49, v63;
	v34 =	vadd.f32 v55, v34  }
0x154: {  	v59 =	vld.idx.msk [tilespmem:v50+s12+$0x0], $0xffff  }
0x155: {  	v61 =	vmul.f32 v53, v51;
	v60 =	vld.idx.msk [tilespmem:v33+s11+$0x0], $0xffff;
	v34 =	vadd.f32 v58, v34  }
0x156: {  	v33 =	vld.idx.msk [tilespmem:v33+s12+$0x0], $0xffff  }
0x157: {  	v62 =	vmul.f32 v56, v54;
	v34 =	vadd.f32 v61, v34;
	_ =	sdelay $0x1  }
0x158: {  	v63 =	vmul.f32 v59, v57;
	v34 =	vadd.f32 v62, v34;
	_ =	sdelay $0x1  }
0x159: {  	v33 =	vmul.f32 v33, v60;
	v34 =	vadd.f32 v63, v34;
	_ =	sdelay $0x1  }
0x15a: {  	s16 =	sadd.s32 $0x1, s16;
	v33 =	vadd.f32 v33, v34  }
0x15b: {  	p0 =	sne.s32 s16, s8;
	s17 =	sadd.s32 $0x10, s17  }
.Ltmp1:
0x15c: {  	[tilespmem:s17+$0x0] =	vst v33;
	(pc) =	sbr.rel @p0 .LBB2_1-.Ltmp1, $4  }
0x15d: {  	[hbm4b:s7+s1] =	stream.linear.scatter [tilespmem:s15], [sflag:$0x3], $0x200, $0x38;
	[tilespmem:$0x8600] =	vst v63  }
0x15e: {  	_ =	swait.ge [sflag:s9], $0x200  }
0x15f: {  	[sflag:s9] =	ssyncset.done $0x0  }
0x160: {  	[sflag:s9] =	ssyncadd.s32 $0xFFFFFE00  }
0x161: {  	_ =	sfence.sel $0x180000  }
0x162: {  	[bflag:$0x0] =	sbarrier.arrive $0xFFFF  }
0x163: {  	p0 =	sne.s32 s2, $0x0;
	_ =	strace $0x90000047  }
0x164: {  	s0 =	sadd.s32 @!p0 $0x100000, s0;
	[bflag:$0x2] =	sbarrier.arrive $0xFFFF  }
0x165: {  	[sflag:s0] =	ssyncadd.tile.s32 @!p0 $0x1;
	_ =	shalt  }
.Lfunc_end2:
_tile_overlayer_lowered:
.L_overlay_start_2:
0x166: {  	(tag) =	ssettag $0x2  }
0x167: {  	s0 =	rddreg [dreg:$0x0];
	s2 =	stileid.u32  }
0x168: {  	s1 =	rddreg [dreg:$0x1];
	p0 =	sne.s32 s2, $0x0  }
0x169: {  	s3 =	rddreg [dreg:$0x2];
	[bflag:$0x3] =	sbarrier.arrive $0xFFFF;
	s2 =	simm.s32 @!p0 $0x1C03  }
0x16a: {  	[timem:s3], [sflag:s2] =	dma.local @!p0 [hbm:s0], s1  }
0x16b: {  	s0 =	simm.s32 @!p0 $0x3  }
0x16c: {  	_ =	swait.ge @!p0 [sflag:s0], s1  }
0x16d: {  	s1 =	ssub.s32 @!p0 $0x0, s1;
	[sflag:s0] =	ssyncset.done @!p0 $0x0  }
0x16e: {  	[sflag:s0] =	ssyncadd.s32 @!p0 s1  }
0x16f: {  	[bflag:$0x3] =	sbarrier.arrive $0xFFFF  }
0x170: {  	_ =	shalt  }

</sc_bundles>
